<compile_context>
chip_gen: v7x
topology: tpu7x:2x2x1
jax: 0.10.2.dev20260603
libtpu: 0.0.44.dev20260713+nightly
codegen_flags: <defaults>
</compile_context>

<pallas_src>
import jax
import jax.numpy as jnp
from jax import lax
from jax.experimental import pallas as pl
from jax.experimental.pallas import tpu as pltpu
from jax.experimental.pallas import tpu_sc as plsc

B = 4096
L = 50
D = 128
NP = L - 1
EPSILON = 1e-07

_NC, _NS = 2, 16
NW = _NC * _NS
BPW = B // NW
GPB = 2
NG = BPW // GPB
K = D // 16
SCR_STRIDE = 17
SCRJ = 816
NSLOT = 4
DEPTH = 3


def _sc_body(inputs2_hbm, weight_hbm, x_hbm,
             idx_v, rows_v, out_v, scr_dot, scr_v2, sem):
    cid = lax.axis_index("c")
    sid = lax.axis_index("s")
    wid = sid * _NC + cid
    base = wid * NG
    iota = lax.iota(jnp.int32, 16)

    pltpu.sync_copy(inputs2_hbm.at[pl.ds(base, NG)], idx_v)
    @pl.loop(0, DEPTH)
    def _(s):
        pltpu.async_copy(weight_hbm.at[idx_v.at[s]],
                         rows_v.at[pl.ds(s * (GPB * L), GPB * L)], sem.at[s])

    def _bsum(v):
        for sh in (8, 4, 2, 1):
            v = v + v.at[iota ^ sh].get(mode="promise_in_bounds")
        return v

    def compute(bb, rbase, j):
        u = [rows_v[rbase, pl.ds(k * 16, 16)] for k in range(K)]
        squ_acc = u[0] * u[0]
        for k in range(1, K):
            squ_acc = squ_acc + u[k] * u[k]
        squ = _bsum(squ_acc)
        row_idx = iota * 0 + bb

        def _x(dots, v2s):
            sqd = squ + v2s - 2.0 * dots
            return 1.0 + 2.0 * sqd / ((1.0 - squ) * (1.0 - v2s)) + EPSILON

        jbase = j * SCRJ

        @plsc.parallel_loop(0, 48, unroll=4)
        def _(l):
            col = rbase + (l + 1)
            v0 = rows_v[col, pl.ds(0, 16)]
            dot = u[0] * v0
            v2 = v0 * v0
            for k in range(1, K):
                vk = rows_v[col, pl.ds(k * 16, 16)]
                dot = dot + u[k] * vk
                v2 = v2 + vk * vk
            plsc.store_scatter(scr_dot, [jbase + iota + l * SCR_STRIDE], dot)
            plsc.store_scatter(scr_v2, [jbase + iota + l * SCR_STRIDE], v2)

        @plsc.parallel_loop(0, 3)
        def _(g):
            boff = jbase + g * (16 * SCR_STRIDE)
            dots = plsc.load_gather(scr_dot, [boff + iota * SCR_STRIDE])
            v2s = plsc.load_gather(scr_v2, [boff + iota * SCR_STRIDE])
            for c in range(1, 16):
                dots = dots + plsc.load_gather(scr_dot, [boff + iota * SCR_STRIDE + c])
                v2s = v2s + plsc.load_gather(scr_v2, [boff + iota * SCR_STRIDE + c])
            plsc.store_scatter(out_v, [row_idx, g * 16 + iota], _x(dots, v2s))

        col = rbase + NP
        v0 = rows_v[col, pl.ds(0, 16)]
        dot = u[0] * v0
        v2 = v0 * v0
        for k in range(1, K):
            vk = rows_v[col, pl.ds(k * 16, 16)]
            dot = dot + u[k] * vk
            v2 = v2 + vk * vk
        x48 = _x(_bsum(dot), _bsum(v2))
        plsc.store_scatter(out_v, [row_idx, iota * 0 + (NP - 1)], x48,
                           mask=iota == 0)

    @pl.loop(0, NG)
    def _(pp):
        slot = lax.rem(pp, NSLOT)
        roff = slot * (GPB * L)
        pltpu.make_async_copy(
            weight_hbm.at[idx_v.at[pp]],
            rows_v.at[pl.ds(roff, GPB * L)], sem.at[slot]).wait()

        @pl.when(pp + DEPTH < NG)
        def _():
            nslot = lax.rem(pp + DEPTH, NSLOT)
            pltpu.async_copy(
                weight_hbm.at[idx_v.at[pp + DEPTH]],
                rows_v.at[pl.ds(nslot * (GPB * L), GPB * L)], sem.at[nslot])

        @plsc.parallel_loop(0, GPB)
        def _(j):
            compute(pp * GPB + j, roff + j * L, j)

    pltpu.sync_copy(out_v, x_hbm.at[pl.ds(wid * BPW, BPW)])


_sc_fn = pl.kernel(
    _sc_body,
    out_type=jax.ShapeDtypeStruct((B, NP), jnp.float32),
    mesh=plsc.VectorSubcoreMesh(core_axis_name="c", subcore_axis_name="s"),
    scratch_types=[
        pltpu.VMEM((NG, GPB * L), jnp.int32),
        pltpu.VMEM((NSLOT * GPB * L, D), jnp.float32),
        pltpu.VMEM((BPW, NP), jnp.float32),
        pltpu.VMEM((GPB * SCRJ,), jnp.float32),
        pltpu.VMEM((GPB * SCRJ,), jnp.float32),
        pltpu.SemaphoreType.DMA((NSLOT,)),
    ],
    compiler_params=pltpu.CompilerParams(needs_layout_passes=False),
)


def _acosh_body(x_ref, o_ref):
    x = x_ref[...]
    o_ref[...] = jnp.log(x + jnp.sqrt(x * x - 1.0))


def _acosh(x):
    return pl.pallas_call(
        _acosh_body,
        out_shape=jax.ShapeDtypeStruct(x.shape, x.dtype),
    )(x)


def kernel(inputs, weight):
    inputs2 = inputs.reshape(B // GPB, GPB * L)
    x = _sc_fn(inputs2, weight)
    return _acosh(x)

# --- scband reference (transcript-rebuilt; emitter-appended) ---
"""Pipeline reference for scband-model-77154792506001 (READ-ONLY COPY).

The authoritative reference and input builder live on the scoring server;
editing this copy changes nothing except your own understanding.
"""

import jax, jax.numpy as jnp
import numpy as np

EPSILON = 1e-07


def setup_inputs(seed: int = 0) -> dict:
    key = jax.random.key(seed)
    k1, k2 = jax.random.split(key)
    inputs = jax.random.randint(k1, (4096, 50), 0, 1000000, dtype=jnp.int64 if jax.config.jax_enable_x64 else jnp.int32).astype(jnp.int32)
    weight = jax.random.uniform(k2, (1000000, 128), dtype=jnp.float32, minval=-0.001, maxval=0.001)
    return {"inputs": inputs, "weight": weight}


def poincare_dist(u, v, epsilon=EPSILON):
    sq_dist = jnp.sum((u - v) ** 2, axis=-1)
    squ_norm = jnp.sum(u ** 2, axis=-1)
    sqv_norm = jnp.sum(v ** 2, axis=-1)
    x = 1 + 2 * sq_dist / ((1 - squ_norm) * (1 - sqv_norm)) + epsilon
    z = jnp.sqrt(x ** 2 - 1)
    return jnp.log(x + z)


def reference(inputs, weight):
    e = jnp.take(weight, inputs, axis=0)  # [B, L, d]
    o = e[:, 1:, :]
    s = jnp.broadcast_to(e[:, 0:1, :], o.shape)
    return poincare_dist(s, o)

if __name__ == "__main__":
    import jax
    _d = setup_inputs()
    print(jax.jit(kernel)(*tuple(_d.values())))

</pallas_src>

<mosaic_0001>
#map = affine_map<(d0, d1) -> (0, 0)>
module attributes {stable_mosaic.version = 14 : i64} {
  func.func @_sc_body(%arg0: i32, %arg1: i32, %arg2: memref<2048x100xi32, #tpu.memory_space<hbm>>, %arg3: memref<1000000x128xf32, #tpu.memory_space<hbm>>, %arg4: memref<4096x49xf32, #tpu.memory_space<hbm>>, %arg5: memref<64x100xi32, #tpu.memory_space<vmem>>, %arg6: memref<400x128xf32, #tpu.memory_space<vmem>>, %arg7: memref<128x49xf32, #tpu.memory_space<vmem>>, %arg8: memref<1632xf32, #tpu.memory_space<vmem>>, %arg9: memref<1632xf32, #tpu.memory_space<vmem>>, %arg10: memref<4x!tpu.dma_semaphore, #tpu.memory_space<semaphore_mem>>) attributes {dimension_semantics = [#tpu.dimension_semantics<core_parallel>, #tpu.dimension_semantics<subcore_parallel>], iteration_bounds = array<i64: 2, 16>, scalar_prefetch = 0 : i64, scratch_operands = 6 : i64, tpu.core_type = #tpu.core_type<sc_vector_subcore>, window_params = [{transform_indices = #map}, {transform_indices = #map}, {transform_indices = #map}]} {
    %mul3A = arith.constant 2 : i32
    %mul3A_0 = arith.muli %arg1, %mul3A : i32
    %add3A = arith.addi %mul3A_0, %arg0 : i32
    %mul3A_1 = arith.constant 64 : i32
    %mul3A_2 = arith.muli %add3A, %mul3A_1 : i32
    %iota3A = tpu.iota {dimensions = array<i32: 0>} : vector<16xi32>
    "tpu.region"() ({
      %run_scoped3A = tpu.sem_alloc : memref<!tpu.dma_semaphore, #tpu.memory_space<semaphore_mem>>
      %dma_start3A = arith.constant 0 : i32
      %dma_start3A_14 = tpu.memref_slice %arg2[%mul3A_2, %dma_start3A] : memref<2048x100xi32, #tpu.memory_space<hbm>> -> memref<64x100xi32, #tpu.memory_space<hbm>>
      %dma_start3A_15 = arith.constant 0 : i32
      %dma_start3A_16 = tpu.memref_slice %arg2[%mul3A_2, %dma_start3A_15] : memref<2048x100xi32, #tpu.memory_space<hbm>> -> memref<64x100xi32, #tpu.memory_space<hbm>>
      tpu.enqueue_dma source(%dma_start3A_16 : memref<64x100xi32, #tpu.memory_space<hbm>>) target(%arg5 : memref<64x100xi32, #tpu.memory_space<vmem>>) target_semaphore(%run_scoped3A : memref<!tpu.dma_semaphore, #tpu.memory_space<semaphore_mem>>)
      %dma_wait3A = arith.constant 0 : i32
      %dma_wait3A_17 = tpu.memref_slice %arg2[%mul3A_2, %dma_wait3A] : memref<2048x100xi32, #tpu.memory_space<hbm>> -> memref<64x100xi32, #tpu.memory_space<hbm>>
      %dma_wait3A_18 = arith.constant 0 : i32
      %dma_wait3A_19 = tpu.memref_slice %arg2[%mul3A_2, %dma_wait3A_18] : memref<2048x100xi32, #tpu.memory_space<hbm>> -> memref<64x100xi32, #tpu.memory_space<hbm>>
      tpu.wait_dma2 semaphore(%run_scoped3A : memref<!tpu.dma_semaphore, #tpu.memory_space<semaphore_mem>>) src(%dma_wait3A_19 : memref<64x100xi32, #tpu.memory_space<hbm>>) dst(%arg5 : memref<64x100xi32, #tpu.memory_space<vmem>>)
      tpu.yield
    }) : () -> ()
    %scan3A = arith.constant 0 : i32
    %scan3A_3 = arith.constant 3 : i32
    %scan3A_4 = arith.addi %scan3A, %scan3A_3 : i32
    %scan3A_5 = arith.constant 1 : i32
    scf.for %scan3A_14 = %scan3A to %scan3A_4 step %scan3A_5  : i32 {
      %mul3A_15 = arith.constant 1 : i32
      %mul3A_16 = arith.muli %scan3A_14, %mul3A_15 : i32
      %add3A_17 = arith.constant 0 : i32
      %add3A_18 = arith.addi %add3A_17, %mul3A_16 : i32
      %mul3A_19 = arith.constant 100 : i32
      %mul3A_20 = arith.muli %add3A_18, %mul3A_19 : i32
      %dma_start3A = arith.constant 0 : i32
      %dma_start3A_21 = tpu.memref_slice %arg6[%mul3A_20, %dma_start3A] : memref<400x128xf32, #tpu.memory_space<vmem>> -> memref<100x128xf32, #tpu.memory_space<vmem>>
      %dma_start3A_22 = arith.constant 0 : i32
      %dma_start3A_23 = tpu.memref_slice %arg5[%add3A_18, %dma_start3A_22] : memref<64x100xi32, #tpu.memory_space<vmem>> -> memref<1x100xi32, #tpu.memory_space<vmem>>
      %dma_start3A_24 = tpu.memref_squeeze %dma_start3A_23 : memref<1x100xi32, #tpu.memory_space<vmem>> -> memref<100xi32, #tpu.memory_space<vmem>>
      %dma_start3A_25 = arith.constant 0 : i32
      %dma_start3A_26 = arith.constant 0 : i32
      %dma_start3A_27 = tpu.memref_slice %arg3[%dma_start3A_25, %dma_start3A_26] : memref<1000000x128xf32, #tpu.memory_space<hbm>> -> memref<1000000x128xf32, #tpu.memory_space<hbm>>
      %dma_start3A_28 = tpu.memref_slice %arg10[%add3A_18] : memref<4x!tpu.dma_semaphore, #tpu.memory_space<semaphore_mem>> -> memref<1x!tpu.dma_semaphore, #tpu.memory_space<semaphore_mem>>
      %dma_start3A_29 = tpu.memref_squeeze %dma_start3A_28 : memref<1x!tpu.dma_semaphore, #tpu.memory_space<semaphore_mem>> -> memref<!tpu.dma_semaphore, #tpu.memory_space<semaphore_mem>>
      tpu.enqueue_indirect_dma source(%dma_start3A_27 : memref<1000000x128xf32, #tpu.memory_space<hbm>>) target(%dma_start3A_21 : memref<100x128xf32, #tpu.memory_space<vmem>>) offsets(%dma_start3A_24 : memref<100xi32, #tpu.memory_space<vmem>>) semaphore(%dma_start3A_29 : memref<!tpu.dma_semaphore, #tpu.memory_space<semaphore_mem>>)
    }
    %scan3A_6 = arith.constant 3 : i32
    %scan3A_7 = arith.constant 0 : i32
    %scan3A_8 = arith.constant 64 : i32
    %scan3A_9 = arith.addi %scan3A_7, %scan3A_8 : i32
    %scan3A_10 = arith.constant 1 : i32
    scf.for %scan3A_14 = %scan3A_7 to %scan3A_9 step %scan3A_10  : i32 {
      %mul3A_15 = arith.constant 1 : i32
      %mul3A_16 = arith.muli %scan3A_14, %mul3A_15 : i32
      %add3A_17 = arith.constant 0 : i32
      %add3A_18 = arith.addi %add3A_17, %mul3A_16 : i32
      %rem3A = arith.constant 4 : i32
      %rem3A_19 = arith.remsi %add3A_18, %rem3A : i32
      %mul3A_20 = arith.constant 100 : i32
      %mul3A_21 = arith.muli %rem3A_19, %mul3A_20 : i32
      %dma_wait3A = arith.constant 0 : i32
      %dma_wait3A_22 = tpu.memref_slice %arg6[%mul3A_21, %dma_wait3A] : memref<400x128xf32, #tpu.memory_space<vmem>> -> memref<100x128xf32, #tpu.memory_space<vmem>>
      %dma_wait3A_23 = arith.constant 0 : i32
      %dma_wait3A_24 = tpu.memref_slice %arg5[%add3A_18, %dma_wait3A_23] : memref<64x100xi32, #tpu.memory_space<vmem>> -> memref<1x100xi32, #tpu.memory_space<vmem>>
      %dma_wait3A_25 = tpu.memref_squeeze %dma_wait3A_24 : memref<1x100xi32, #tpu.memory_space<vmem>> -> memref<100xi32, #tpu.memory_space<vmem>>
      %dma_wait3A_26 = arith.constant 0 : i32
      %dma_wait3A_27 = arith.constant 0 : i32
      %dma_wait3A_28 = tpu.memref_slice %arg3[%dma_wait3A_26, %dma_wait3A_27] : memref<1000000x128xf32, #tpu.memory_space<hbm>> -> memref<1000000x128xf32, #tpu.memory_space<hbm>>
      %dma_wait3A_29 = tpu.memref_slice %arg10[%rem3A_19] : memref<4x!tpu.dma_semaphore, #tpu.memory_space<semaphore_mem>> -> memref<1x!tpu.dma_semaphore, #tpu.memory_space<semaphore_mem>>
      %dma_wait3A_30 = tpu.memref_squeeze %dma_wait3A_29 : memref<1x!tpu.dma_semaphore, #tpu.memory_space<semaphore_mem>> -> memref<!tpu.dma_semaphore, #tpu.memory_space<semaphore_mem>>
      tpu.wait_indirect_dma semaphore(%dma_wait3A_30 : memref<!tpu.dma_semaphore, #tpu.memory_space<semaphore_mem>>) src(%dma_wait3A_28 : memref<1000000x128xf32, #tpu.memory_space<hbm>>) dst(%dma_wait3A_22 : memref<100x128xf32, #tpu.memory_space<vmem>>)
      %add3A_31 = arith.constant 3 : i32
      %add3A_32 = arith.addi %add3A_18, %add3A_31 : i32
      %lt3A = arith.constant 64 : i32
      %lt3A_33 = arith.cmpi slt, %add3A_32, %lt3A : i32
      %convert_element_type3A = arith.extui %lt3A_33 : i1 to i32
      %cond3A = arith.constant 0 : i32
      %cond3A_34 = arith.cmpi ne, %convert_element_type3A, %cond3A : i32
      scf.if %cond3A_34 {
        %add3A_37 = arith.constant 3 : i32
        %add3A_38 = arith.addi %add3A_18, %add3A_37 : i32
        %rem3A_39 = arith.constant 4 : i32
        %rem3A_40 = arith.remsi %add3A_38, %rem3A_39 : i32
        %add3A_41 = arith.constant 3 : i32
        %add3A_42 = arith.addi %add3A_18, %add3A_41 : i32
        %mul3A_43 = arith.constant 100 : i32
        %mul3A_44 = arith.muli %rem3A_40, %mul3A_43 : i32
        %dma_start3A = arith.constant 0 : i32
        %dma_start3A_45 = tpu.memref_slice %arg6[%mul3A_44, %dma_start3A] : memref<400x128xf32, #tpu.memory_space<vmem>> -> memref<100x128xf32, #tpu.memory_space<vmem>>
        %dma_start3A_46 = arith.constant 0 : i32
        %dma_start3A_47 = tpu.memref_slice %arg5[%add3A_42, %dma_start3A_46] : memref<64x100xi32, #tpu.memory_space<vmem>> -> memref<1x100xi32, #tpu.memory_space<vmem>>
        %dma_start3A_48 = tpu.memref_squeeze %dma_start3A_47 : memref<1x100xi32, #tpu.memory_space<vmem>> -> memref<100xi32, #tpu.memory_space<vmem>>
        %dma_start3A_49 = arith.constant 0 : i32
        %dma_start3A_50 = arith.constant 0 : i32
        %dma_start3A_51 = tpu.memref_slice %arg3[%dma_start3A_49, %dma_start3A_50] : memref<1000000x128xf32, #tpu.memory_space<hbm>> -> memref<1000000x128xf32, #tpu.memory_space<hbm>>
        %dma_start3A_52 = tpu.memref_slice %arg10[%rem3A_40] : memref<4x!tpu.dma_semaphore, #tpu.memory_space<semaphore_mem>> -> memref<1x!tpu.dma_semaphore, #tpu.memory_space<semaphore_mem>>
        %dma_start3A_53 = tpu.memref_squeeze %dma_start3A_52 : memref<1x!tpu.dma_semaphore, #tpu.memory_space<semaphore_mem>> -> memref<!tpu.dma_semaphore, #tpu.memory_space<semaphore_mem>>
        tpu.enqueue_indirect_dma source(%dma_start3A_51 : memref<1000000x128xf32, #tpu.memory_space<hbm>>) target(%dma_start3A_45 : memref<100x128xf32, #tpu.memory_space<vmem>>) offsets(%dma_start3A_48 : memref<100xi32, #tpu.memory_space<vmem>>) semaphore(%dma_start3A_53 : memref<!tpu.dma_semaphore, #tpu.memory_space<semaphore_mem>>)
      } else {
      }
      %parallel_loop3A = arith.constant 0 : i32
      %parallel_loop3A_35 = arith.constant 2 : i32
      %parallel_loop3A_36 = arith.constant 1 : i32
      scf.for %parallel_loop3A_37 = %parallel_loop3A to %parallel_loop3A_35 step %parallel_loop3A_36  : i32 {
        %parallel_loop3A_38 = arith.constant 2 : i32
        %parallel_loop3A_39 = arith.muli %add3A_18, %parallel_loop3A_38 : i32
        %parallel_loop3A_40 = arith.addi %parallel_loop3A_39, %parallel_loop3A_37 : i32
        %parallel_loop3A_41 = arith.constant 50 : i32
        %parallel_loop3A_42 = arith.muli %parallel_loop3A_37, %parallel_loop3A_41 : i32
        %parallel_loop3A_43 = arith.addi %mul3A_21, %parallel_loop3A_42 : i32
        %parallel_loop3A_44 = arith.index_cast %parallel_loop3A_43 : i32 to index
        %parallel_loop3A_45 = arith.constant 0 : index
        %parallel_loop3A_46 = tpu.vector_load %arg6[%parallel_loop3A_44, %parallel_loop3A_45] {strides = array<i32>} : memref<400x128xf32, #tpu.memory_space<vmem>>, vector<16xf32>,
        %parallel_loop3A_47 = arith.index_cast %parallel_loop3A_43 : i32 to index
        %parallel_loop3A_48 = arith.constant 16 : index
        %parallel_loop3A_49 = tpu.vector_load %arg6[%parallel_loop3A_47, %parallel_loop3A_48] {strides = array<i32>} : memref<400x128xf32, #tpu.memory_space<vmem>>, vector<16xf32>,
        %parallel_loop3A_50 = arith.index_cast %parallel_loop3A_43 : i32 to index
        %parallel_loop3A_51 = arith.constant 32 : index
        %parallel_loop3A_52 = tpu.vector_load %arg6[%parallel_loop3A_50, %parallel_loop3A_51] {strides = array<i32>} : memref<400x128xf32, #tpu.memory_space<vmem>>, vector<16xf32>,
        %parallel_loop3A_53 = arith.index_cast %parallel_loop3A_43 : i32 to index
        %parallel_loop3A_54 = arith.constant 48 : index
        %parallel_loop3A_55 = tpu.vector_load %arg6[%parallel_loop3A_53, %parallel_loop3A_54] {strides = array<i32>} : memref<400x128xf32, #tpu.memory_space<vmem>>, vector<16xf32>,
        %parallel_loop3A_56 = arith.index_cast %parallel_loop3A_43 : i32 to index
        %parallel_loop3A_57 = arith.constant 64 : index
        %parallel_loop3A_58 = tpu.vector_load %arg6[%parallel_loop3A_56, %parallel_loop3A_57] {strides = array<i32>} : memref<400x128xf32, #tpu.memory_space<vmem>>, vector<16xf32>,
        %parallel_loop3A_59 = arith.index_cast %parallel_loop3A_43 : i32 to index
        %parallel_loop3A_60 = arith.constant 80 : index
        %parallel_loop3A_61 = tpu.vector_load %arg6[%parallel_loop3A_59, %parallel_loop3A_60] {strides = array<i32>} : memref<400x128xf32, #tpu.memory_space<vmem>>, vector<16xf32>,
        %parallel_loop3A_62 = arith.index_cast %parallel_loop3A_43 : i32 to index
        %parallel_loop3A_63 = arith.constant 96 : index
        %parallel_loop3A_64 = tpu.vector_load %arg6[%parallel_loop3A_62, %parallel_loop3A_63] {strides = array<i32>} : memref<400x128xf32, #tpu.memory_space<vmem>>, vector<16xf32>,
        %parallel_loop3A_65 = arith.index_cast %parallel_loop3A_43 : i32 to index
        %parallel_loop3A_66 = arith.constant 112 : index
        %parallel_loop3A_67 = tpu.vector_load %arg6[%parallel_loop3A_65, %parallel_loop3A_66] {strides = array<i32>} : memref<400x128xf32, #tpu.memory_space<vmem>>, vector<16xf32>,
        %parallel_loop3A_68 = arith.mulf %parallel_loop3A_46, %parallel_loop3A_46 : vector<16xf32>
        %parallel_loop3A_69 = arith.mulf %parallel_loop3A_49, %parallel_loop3A_49 : vector<16xf32>
        %parallel_loop3A_70 = arith.addf %parallel_loop3A_68, %parallel_loop3A_69 : vector<16xf32>
        %parallel_loop3A_71 = arith.mulf %parallel_loop3A_52, %parallel_loop3A_52 : vector<16xf32>
        %parallel_loop3A_72 = arith.addf %parallel_loop3A_70, %parallel_loop3A_71 : vector<16xf32>
        %parallel_loop3A_73 = arith.mulf %parallel_loop3A_55, %parallel_loop3A_55 : vector<16xf32>
        %parallel_loop3A_74 = arith.addf %parallel_loop3A_72, %parallel_loop3A_73 : vector<16xf32>
        %parallel_loop3A_75 = arith.mulf %parallel_loop3A_58, %parallel_loop3A_58 : vector<16xf32>
        %parallel_loop3A_76 = arith.addf %parallel_loop3A_74, %parallel_loop3A_75 : vector<16xf32>
        %parallel_loop3A_77 = arith.mulf %parallel_loop3A_61, %parallel_loop3A_61 : vector<16xf32>
        %parallel_loop3A_78 = arith.addf %parallel_loop3A_76, %parallel_loop3A_77 : vector<16xf32>
        %parallel_loop3A_79 = arith.mulf %parallel_loop3A_64, %parallel_loop3A_64 : vector<16xf32>
        %parallel_loop3A_80 = arith.addf %parallel_loop3A_78, %parallel_loop3A_79 : vector<16xf32>
        %parallel_loop3A_81 = arith.mulf %parallel_loop3A_67, %parallel_loop3A_67 : vector<16xf32>
        %parallel_loop3A_82 = arith.addf %parallel_loop3A_80, %parallel_loop3A_81 : vector<16xf32>
        %parallel_loop3A_83 = arith.constant 8 : i32
        %parallel_loop3A_84 = vector.broadcast %parallel_loop3A_83 : i32 to vector<16xi32>
        %parallel_loop3A_85 = arith.xori %iota3A, %parallel_loop3A_84 : vector<16xi32>
        %parallel_loop3A_86 = arith.constant 0 : i32
        %parallel_loop3A_87 = vector.broadcast %parallel_loop3A_86 : i32 to vector<16xi32>
        %parallel_loop3A_88 = arith.cmpi slt, %parallel_loop3A_85, %parallel_loop3A_87 : vector<16xi32>
        %parallel_loop3A_89 = arith.constant 16 : i32
        %parallel_loop3A_90 = vector.broadcast %parallel_loop3A_89 : i32 to vector<16xi32>
        %parallel_loop3A_91 = arith.addi %parallel_loop3A_85, %parallel_loop3A_90 : vector<16xi32>
        %parallel_loop3A_92 = arith.select %parallel_loop3A_88, %parallel_loop3A_91, %parallel_loop3A_85 : vector<16xi1>, vector<16xi32>
        %parallel_loop3A_93 = vector.shape_cast %parallel_loop3A_92 : vector<16xi32> to vector<16x1xi32>
        %parallel_loop3A_94 = vector.shape_cast %parallel_loop3A_93 : vector<16x1xi32> to vector<16xi32>
        %parallel_loop3A_95 = tpu.dynamic_gather %parallel_loop3A_82[%parallel_loop3A_94] in [0] : vector<16xf32>, vector<16xi32> -> vector<16xf32>
        %parallel_loop3A_96 = arith.addf %parallel_loop3A_82, %parallel_loop3A_95 : vector<16xf32>
        %parallel_loop3A_97 = arith.constant 4 : i32
        %parallel_loop3A_98 = vector.broadcast %parallel_loop3A_97 : i32 to vector<16xi32>
        %parallel_loop3A_99 = arith.xori %iota3A, %parallel_loop3A_98 : vector<16xi32>
        %parallel_loop3A_100 = arith.constant 0 : i32
        %parallel_loop3A_101 = vector.broadcast %parallel_loop3A_100 : i32 to vector<16xi32>
        %parallel_loop3A_102 = arith.cmpi slt, %parallel_loop3A_99, %parallel_loop3A_101 : vector<16xi32>
        %parallel_loop3A_103 = arith.constant 16 : i32
        %parallel_loop3A_104 = vector.broadcast %parallel_loop3A_103 : i32 to vector<16xi32>
        %parallel_loop3A_105 = arith.addi %parallel_loop3A_99, %parallel_loop3A_104 : vector<16xi32>
        %parallel_loop3A_106 = arith.select %parallel_loop3A_102, %parallel_loop3A_105, %parallel_loop3A_99 : vector<16xi1>, vector<16xi32>
        %parallel_loop3A_107 = vector.shape_cast %parallel_loop3A_106 : vector<16xi32> to vector<16x1xi32>
        %parallel_loop3A_108 = vector.shape_cast %parallel_loop3A_107 : vector<16x1xi32> to vector<16xi32>
        %parallel_loop3A_109 = tpu.dynamic_gather %parallel_loop3A_96[%parallel_loop3A_108] in [0] : vector<16xf32>, vector<16xi32> -> vector<16xf32>
        %parallel_loop3A_110 = arith.addf %parallel_loop3A_96, %parallel_loop3A_109 : vector<16xf32>
        %parallel_loop3A_111 = arith.constant 2 : i32
        %parallel_loop3A_112 = vector.broadcast %parallel_loop3A_111 : i32 to vector<16xi32>
        %parallel_loop3A_113 = arith.xori %iota3A, %parallel_loop3A_112 : vector<16xi32>
        %parallel_loop3A_114 = arith.constant 0 : i32
        %parallel_loop3A_115 = vector.broadcast %parallel_loop3A_114 : i32 to vector<16xi32>
        %parallel_loop3A_116 = arith.cmpi slt, %parallel_loop3A_113, %parallel_loop3A_115 : vector<16xi32>
        %parallel_loop3A_117 = arith.constant 16 : i32
        %parallel_loop3A_118 = vector.broadcast %parallel_loop3A_117 : i32 to vector<16xi32>
        %parallel_loop3A_119 = arith.addi %parallel_loop3A_113, %parallel_loop3A_118 : vector<16xi32>
        %parallel_loop3A_120 = arith.select %parallel_loop3A_116, %parallel_loop3A_119, %parallel_loop3A_113 : vector<16xi1>, vector<16xi32>
        %parallel_loop3A_121 = vector.shape_cast %parallel_loop3A_120 : vector<16xi32> to vector<16x1xi32>
        %parallel_loop3A_122 = vector.shape_cast %parallel_loop3A_121 : vector<16x1xi32> to vector<16xi32>
        %parallel_loop3A_123 = tpu.dynamic_gather %parallel_loop3A_110[%parallel_loop3A_122] in [0] : vector<16xf32>, vector<16xi32> -> vector<16xf32>
        %parallel_loop3A_124 = arith.addf %parallel_loop3A_110, %parallel_loop3A_123 : vector<16xf32>
        %parallel_loop3A_125 = arith.constant 1 : i32
        %parallel_loop3A_126 = vector.broadcast %parallel_loop3A_125 : i32 to vector<16xi32>
        %parallel_loop3A_127 = arith.xori %iota3A, %parallel_loop3A_126 : vector<16xi32>
        %parallel_loop3A_128 = arith.constant 0 : i32
        %parallel_loop3A_129 = vector.broadcast %parallel_loop3A_128 : i32 to vector<16xi32>
        %parallel_loop3A_130 = arith.cmpi slt, %parallel_loop3A_127, %parallel_loop3A_129 : vector<16xi32>
        %parallel_loop3A_131 = arith.constant 16 : i32
        %parallel_loop3A_132 = vector.broadcast %parallel_loop3A_131 : i32 to vector<16xi32>
        %parallel_loop3A_133 = arith.addi %parallel_loop3A_127, %parallel_loop3A_132 : vector<16xi32>
        %parallel_loop3A_134 = arith.select %parallel_loop3A_130, %parallel_loop3A_133, %parallel_loop3A_127 : vector<16xi1>, vector<16xi32>
        %parallel_loop3A_135 = vector.shape_cast %parallel_loop3A_134 : vector<16xi32> to vector<16x1xi32>
        %parallel_loop3A_136 = vector.shape_cast %parallel_loop3A_135 : vector<16x1xi32> to vector<16xi32>
        %parallel_loop3A_137 = tpu.dynamic_gather %parallel_loop3A_124[%parallel_loop3A_136] in [0] : vector<16xf32>, vector<16xi32> -> vector<16xf32>
        %parallel_loop3A_138 = arith.addf %parallel_loop3A_124, %parallel_loop3A_137 : vector<16xf32>
        %parallel_loop3A_139 = arith.constant 0 : i32
        %parallel_loop3A_140 = vector.broadcast %parallel_loop3A_139 : i32 to vector<16xi32>
        %parallel_loop3A_141 = arith.muli %iota3A, %parallel_loop3A_140 : vector<16xi32>
        %parallel_loop3A_142 = vector.broadcast %parallel_loop3A_40 : i32 to vector<16xi32>
        %parallel_loop3A_143 = arith.addi %parallel_loop3A_141, %parallel_loop3A_142 : vector<16xi32>
        %parallel_loop3A_144 = arith.constant 816 : i32
        %parallel_loop3A_145 = arith.muli %parallel_loop3A_37, %parallel_loop3A_144 : i32
        %parallel_loop3A_146 = arith.constant 0 : i32
        %parallel_loop3A_147 = arith.constant 48 : i32
        %parallel_loop3A_148 = arith.constant 1 : i32
        scf.for %parallel_loop3A_351 = %parallel_loop3A_146 to %parallel_loop3A_147 step %parallel_loop3A_148  : i32 {
          %parallel_loop3A_352 = arith.constant 1 : i32
          %parallel_loop3A_353 = arith.addi %parallel_loop3A_351, %parallel_loop3A_352 : i32
          %parallel_loop3A_354 = arith.addi %parallel_loop3A_43, %parallel_loop3A_353 : i32
          %parallel_loop3A_355 = arith.index_cast %parallel_loop3A_354 : i32 to index
          %parallel_loop3A_356 = arith.constant 0 : index
          %parallel_loop3A_357 = tpu.vector_load %arg6[%parallel_loop3A_355, %parallel_loop3A_356] {strides = array<i32>} : memref<400x128xf32, #tpu.memory_space<vmem>>, vector<16xf32>,
          %parallel_loop3A_358 = arith.mulf %parallel_loop3A_46, %parallel_loop3A_357 : vector<16xf32>
          %parallel_loop3A_359 = arith.mulf %parallel_loop3A_357, %parallel_loop3A_357 : vector<16xf32>
          %parallel_loop3A_360 = arith.index_cast %parallel_loop3A_354 : i32 to index
          %parallel_loop3A_361 = arith.constant 16 : index
          %parallel_loop3A_362 = tpu.vector_load %arg6[%parallel_loop3A_360, %parallel_loop3A_361] {strides = array<i32>} : memref<400x128xf32, #tpu.memory_space<vmem>>, vector<16xf32>,
          %parallel_loop3A_363 = arith.mulf %parallel_loop3A_49, %parallel_loop3A_362 : vector<16xf32>
          %parallel_loop3A_364 = arith.addf %parallel_loop3A_358, %parallel_loop3A_363 : vector<16xf32>
          %parallel_loop3A_365 = arith.mulf %parallel_loop3A_362, %parallel_loop3A_362 : vector<16xf32>
          %parallel_loop3A_366 = arith.addf %parallel_loop3A_359, %parallel_loop3A_365 : vector<16xf32>
          %parallel_loop3A_367 = arith.index_cast %parallel_loop3A_354 : i32 to index
          %parallel_loop3A_368 = arith.constant 32 : index
          %parallel_loop3A_369 = tpu.vector_load %arg6[%parallel_loop3A_367, %parallel_loop3A_368] {strides = array<i32>} : memref<400x128xf32, #tpu.memory_space<vmem>>, vector<16xf32>,
          %parallel_loop3A_370 = arith.mulf %parallel_loop3A_52, %parallel_loop3A_369 : vector<16xf32>
          %parallel_loop3A_371 = arith.addf %parallel_loop3A_364, %parallel_loop3A_370 : vector<16xf32>
          %parallel_loop3A_372 = arith.mulf %parallel_loop3A_369, %parallel_loop3A_369 : vector<16xf32>
          %parallel_loop3A_373 = arith.addf %parallel_loop3A_366, %parallel_loop3A_372 : vector<16xf32>
          %parallel_loop3A_374 = arith.index_cast %parallel_loop3A_354 : i32 to index
          %parallel_loop3A_375 = arith.constant 48 : index
          %parallel_loop3A_376 = tpu.vector_load %arg6[%parallel_loop3A_374, %parallel_loop3A_375] {strides = array<i32>} : memref<400x128xf32, #tpu.memory_space<vmem>>, vector<16xf32>,
          %parallel_loop3A_377 = arith.mulf %parallel_loop3A_55, %parallel_loop3A_376 : vector<16xf32>
          %parallel_loop3A_378 = arith.addf %parallel_loop3A_371, %parallel_loop3A_377 : vector<16xf32>
          %parallel_loop3A_379 = arith.mulf %parallel_loop3A_376, %parallel_loop3A_376 : vector<16xf32>
          %parallel_loop3A_380 = arith.addf %parallel_loop3A_373, %parallel_loop3A_379 : vector<16xf32>
          %parallel_loop3A_381 = arith.index_cast %parallel_loop3A_354 : i32 to index
          %parallel_loop3A_382 = arith.constant 64 : index
          %parallel_loop3A_383 = tpu.vector_load %arg6[%parallel_loop3A_381, %parallel_loop3A_382] {strides = array<i32>} : memref<400x128xf32, #tpu.memory_space<vmem>>, vector<16xf32>,
          %parallel_loop3A_384 = arith.mulf %parallel_loop3A_58, %parallel_loop3A_383 : vector<16xf32>
          %parallel_loop3A_385 = arith.addf %parallel_loop3A_378, %parallel_loop3A_384 : vector<16xf32>
          %parallel_loop3A_386 = arith.mulf %parallel_loop3A_383, %parallel_loop3A_383 : vector<16xf32>
          %parallel_loop3A_387 = arith.addf %parallel_loop3A_380, %parallel_loop3A_386 : vector<16xf32>
          %parallel_loop3A_388 = arith.index_cast %parallel_loop3A_354 : i32 to index
          %parallel_loop3A_389 = arith.constant 80 : index
          %parallel_loop3A_390 = tpu.vector_load %arg6[%parallel_loop3A_388, %parallel_loop3A_389] {strides = array<i32>} : memref<400x128xf32, #tpu.memory_space<vmem>>, vector<16xf32>,
          %parallel_loop3A_391 = arith.mulf %parallel_loop3A_61, %parallel_loop3A_390 : vector<16xf32>
          %parallel_loop3A_392 = arith.addf %parallel_loop3A_385, %parallel_loop3A_391 : vector<16xf32>
          %parallel_loop3A_393 = arith.mulf %parallel_loop3A_390, %parallel_loop3A_390 : vector<16xf32>
          %parallel_loop3A_394 = arith.addf %parallel_loop3A_387, %parallel_loop3A_393 : vector<16xf32>
          %parallel_loop3A_395 = arith.index_cast %parallel_loop3A_354 : i32 to index
          %parallel_loop3A_396 = arith.constant 96 : index
          %parallel_loop3A_397 = tpu.vector_load %arg6[%parallel_loop3A_395, %parallel_loop3A_396] {strides = array<i32>} : memref<400x128xf32, #tpu.memory_space<vmem>>, vector<16xf32>,
          %parallel_loop3A_398 = arith.mulf %parallel_loop3A_64, %parallel_loop3A_397 : vector<16xf32>
          %parallel_loop3A_399 = arith.addf %parallel_loop3A_392, %parallel_loop3A_398 : vector<16xf32>
          %parallel_loop3A_400 = arith.mulf %parallel_loop3A_397, %parallel_loop3A_397 : vector<16xf32>
          %parallel_loop3A_401 = arith.addf %parallel_loop3A_394, %parallel_loop3A_400 : vector<16xf32>
          %parallel_loop3A_402 = arith.index_cast %parallel_loop3A_354 : i32 to index
          %parallel_loop3A_403 = arith.constant 112 : index
          %parallel_loop3A_404 = tpu.vector_load %arg6[%parallel_loop3A_402, %parallel_loop3A_403] {strides = array<i32>} : memref<400x128xf32, #tpu.memory_space<vmem>>, vector<16xf32>,
          %parallel_loop3A_405 = arith.mulf %parallel_loop3A_67, %parallel_loop3A_404 : vector<16xf32>
          %parallel_loop3A_406 = arith.addf %parallel_loop3A_399, %parallel_loop3A_405 : vector<16xf32>
          %parallel_loop3A_407 = arith.mulf %parallel_loop3A_404, %parallel_loop3A_404 : vector<16xf32>
          %parallel_loop3A_408 = arith.addf %parallel_loop3A_401, %parallel_loop3A_407 : vector<16xf32>
          %parallel_loop3A_409 = vector.broadcast %parallel_loop3A_145 : i32 to vector<16xi32>
          %parallel_loop3A_410 = arith.addi %parallel_loop3A_409, %iota3A : vector<16xi32>
          %parallel_loop3A_411 = arith.constant 17 : i32
          %parallel_loop3A_412 = arith.muli %parallel_loop3A_351, %parallel_loop3A_411 : i32
          %parallel_loop3A_413 = vector.broadcast %parallel_loop3A_412 : i32 to vector<16xi32>
          %parallel_loop3A_414 = arith.addi %parallel_loop3A_410, %parallel_loop3A_413 : vector<16xi32>
          tpu.vector_store_idx %arg8[%parallel_loop3A_414], %parallel_loop3A_406 : memref<1632xf32, #tpu.memory_space<vmem>>[vector<16xi32>], vector<16xf32>,
          %parallel_loop3A_415 = vector.broadcast %parallel_loop3A_145 : i32 to vector<16xi32>
          %parallel_loop3A_416 = arith.addi %parallel_loop3A_415, %iota3A : vector<16xi32>
          %parallel_loop3A_417 = arith.constant 17 : i32
          %parallel_loop3A_418 = arith.muli %parallel_loop3A_351, %parallel_loop3A_417 : i32
          %parallel_loop3A_419 = vector.broadcast %parallel_loop3A_418 : i32 to vector<16xi32>
          %parallel_loop3A_420 = arith.addi %parallel_loop3A_416, %parallel_loop3A_419 : vector<16xi32>
          tpu.vector_store_idx %arg9[%parallel_loop3A_420], %parallel_loop3A_408 : memref<1632xf32, #tpu.memory_space<vmem>>[vector<16xi32>], vector<16xf32>,
        } {sc.loop_unroll_factor = 4 : i64, sc.parallel_access}
        %parallel_loop3A_149 = arith.constant 0 : i32
        %parallel_loop3A_150 = arith.constant 3 : i32
        %parallel_loop3A_151 = arith.constant 1 : i32
        scf.for %parallel_loop3A_351 = %parallel_loop3A_149 to %parallel_loop3A_150 step %parallel_loop3A_151  : i32 {
          %parallel_loop3A_352 = arith.constant 272 : i32
          %parallel_loop3A_353 = arith.muli %parallel_loop3A_351, %parallel_loop3A_352 : i32
          %parallel_loop3A_354 = arith.addi %parallel_loop3A_145, %parallel_loop3A_353 : i32
          %parallel_loop3A_355 = arith.constant 17 : i32
          %parallel_loop3A_356 = vector.broadcast %parallel_loop3A_355 : i32 to vector<16xi32>
          %parallel_loop3A_357 = arith.muli %iota3A, %parallel_loop3A_356 : vector<16xi32>
          %parallel_loop3A_358 = vector.broadcast %parallel_loop3A_354 : i32 to vector<16xi32>
          %parallel_loop3A_359 = arith.addi %parallel_loop3A_358, %parallel_loop3A_357 : vector<16xi32>
          %parallel_loop3A_360 = tpu.vector_load_idx %arg8[%parallel_loop3A_359] : memref<1632xf32, #tpu.memory_space<vmem>>[vector<16xi32>], vector<16xf32>,
          %parallel_loop3A_361 = arith.constant 17 : i32
          %parallel_loop3A_362 = vector.broadcast %parallel_loop3A_361 : i32 to vector<16xi32>
          %parallel_loop3A_363 = arith.muli %iota3A, %parallel_loop3A_362 : vector<16xi32>
          %parallel_loop3A_364 = vector.broadcast %parallel_loop3A_354 : i32 to vector<16xi32>
          %parallel_loop3A_365 = arith.addi %parallel_loop3A_364, %parallel_loop3A_363 : vector<16xi32>
          %parallel_loop3A_366 = tpu.vector_load_idx %arg9[%parallel_loop3A_365] : memref<1632xf32, #tpu.memory_space<vmem>>[vector<16xi32>], vector<16xf32>,
          %parallel_loop3A_367 = arith.constant 17 : i32
          %parallel_loop3A_368 = vector.broadcast %parallel_loop3A_367 : i32 to vector<16xi32>
          %parallel_loop3A_369 = arith.muli %iota3A, %parallel_loop3A_368 : vector<16xi32>
          %parallel_loop3A_370 = vector.broadcast %parallel_loop3A_354 : i32 to vector<16xi32>
          %parallel_loop3A_371 = arith.addi %parallel_loop3A_370, %parallel_loop3A_369 : vector<16xi32>
          %parallel_loop3A_372 = arith.constant 1 : i32
          %parallel_loop3A_373 = vector.broadcast %parallel_loop3A_372 : i32 to vector<16xi32>
          %parallel_loop3A_374 = arith.addi %parallel_loop3A_371, %parallel_loop3A_373 : vector<16xi32>
          %parallel_loop3A_375 = tpu.vector_load_idx %arg8[%parallel_loop3A_374] : memref<1632xf32, #tpu.memory_space<vmem>>[vector<16xi32>], vector<16xf32>,
          %parallel_loop3A_376 = arith.addf %parallel_loop3A_360, %parallel_loop3A_375 : vector<16xf32>
          %parallel_loop3A_377 = arith.constant 17 : i32
          %parallel_loop3A_378 = vector.broadcast %parallel_loop3A_377 : i32 to vector<16xi32>
          %parallel_loop3A_379 = arith.muli %iota3A, %parallel_loop3A_378 : vector<16xi32>
          %parallel_loop3A_380 = vector.broadcast %parallel_loop3A_354 : i32 to vector<16xi32>
          %parallel_loop3A_381 = arith.addi %parallel_loop3A_380, %parallel_loop3A_379 : vector<16xi32>
          %parallel_loop3A_382 = arith.constant 1 : i32
          %parallel_loop3A_383 = vector.broadcast %parallel_loop3A_382 : i32 to vector<16xi32>
          %parallel_loop3A_384 = arith.addi %parallel_loop3A_381, %parallel_loop3A_383 : vector<16xi32>
          %parallel_loop3A_385 = tpu.vector_load_idx %arg9[%parallel_loop3A_384] : memref<1632xf32, #tpu.memory_space<vmem>>[vector<16xi32>], vector<16xf32>,
          %parallel_loop3A_386 = arith.addf %parallel_loop3A_366, %parallel_loop3A_385 : vector<16xf32>
          %parallel_loop3A_387 = arith.constant 17 : i32
          %parallel_loop3A_388 = vector.broadcast %parallel_loop3A_387 : i32 to vector<16xi32>
          %parallel_loop3A_389 = arith.muli %iota3A, %parallel_loop3A_388 : vector<16xi32>
          %parallel_loop3A_390 = vector.broadcast %parallel_loop3A_354 : i32 to vector<16xi32>
          %parallel_loop3A_391 = arith.addi %parallel_loop3A_390, %parallel_loop3A_389 : vector<16xi32>
          %parallel_loop3A_392 = arith.constant 2 : i32
          %parallel_loop3A_393 = vector.broadcast %parallel_loop3A_392 : i32 to vector<16xi32>
          %parallel_loop3A_394 = arith.addi %parallel_loop3A_391, %parallel_loop3A_393 : vector<16xi32>
          %parallel_loop3A_395 = tpu.vector_load_idx %arg8[%parallel_loop3A_394] : memref<1632xf32, #tpu.memory_space<vmem>>[vector<16xi32>], vector<16xf32>,
          %parallel_loop3A_396 = arith.addf %parallel_loop3A_376, %parallel_loop3A_395 : vector<16xf32>
          %parallel_loop3A_397 = arith.constant 17 : i32
          %parallel_loop3A_398 = vector.broadcast %parallel_loop3A_397 : i32 to vector<16xi32>
          %parallel_loop3A_399 = arith.muli %iota3A, %parallel_loop3A_398 : vector<16xi32>
          %parallel_loop3A_400 = vector.broadcast %parallel_loop3A_354 : i32 to vector<16xi32>
          %parallel_loop3A_401 = arith.addi %parallel_loop3A_400, %parallel_loop3A_399 : vector<16xi32>
          %parallel_loop3A_402 = arith.constant 2 : i32
          %parallel_loop3A_403 = vector.broadcast %parallel_loop3A_402 : i32 to vector<16xi32>
          %parallel_loop3A_404 = arith.addi %parallel_loop3A_401, %parallel_loop3A_403 : vector<16xi32>
          %parallel_loop3A_405 = tpu.vector_load_idx %arg9[%parallel_loop3A_404] : memref<1632xf32, #tpu.memory_space<vmem>>[vector<16xi32>], vector<16xf32>,
          %parallel_loop3A_406 = arith.addf %parallel_loop3A_386, %parallel_loop3A_405 : vector<16xf32>
          %parallel_loop3A_407 = arith.constant 17 : i32
          %parallel_loop3A_408 = vector.broadcast %parallel_loop3A_407 : i32 to vector<16xi32>
          %parallel_loop3A_409 = arith.muli %iota3A, %parallel_loop3A_408 : vector<16xi32>
          %parallel_loop3A_410 = vector.broadcast %parallel_loop3A_354 : i32 to vector<16xi32>
          %parallel_loop3A_411 = arith.addi %parallel_loop3A_410, %parallel_loop3A_409 : vector<16xi32>
          %parallel_loop3A_412 = arith.constant 3 : i32
          %parallel_loop3A_413 = vector.broadcast %parallel_loop3A_412 : i32 to vector<16xi32>
          %parallel_loop3A_414 = arith.addi %parallel_loop3A_411, %parallel_loop3A_413 : vector<16xi32>
          %parallel_loop3A_415 = tpu.vector_load_idx %arg8[%parallel_loop3A_414] : memref<1632xf32, #tpu.memory_space<vmem>>[vector<16xi32>], vector<16xf32>,
          %parallel_loop3A_416 = arith.addf %parallel_loop3A_396, %parallel_loop3A_415 : vector<16xf32>
          %parallel_loop3A_417 = arith.constant 17 : i32
          %parallel_loop3A_418 = vector.broadcast %parallel_loop3A_417 : i32 to vector<16xi32>
          %parallel_loop3A_419 = arith.muli %iota3A, %parallel_loop3A_418 : vector<16xi32>
          %parallel_loop3A_420 = vector.broadcast %parallel_loop3A_354 : i32 to vector<16xi32>
          %parallel_loop3A_421 = arith.addi %parallel_loop3A_420, %parallel_loop3A_419 : vector<16xi32>
          %parallel_loop3A_422 = arith.constant 3 : i32
          %parallel_loop3A_423 = vector.broadcast %parallel_loop3A_422 : i32 to vector<16xi32>
          %parallel_loop3A_424 = arith.addi %parallel_loop3A_421, %parallel_loop3A_423 : vector<16xi32>
          %parallel_loop3A_425 = tpu.vector_load_idx %arg9[%parallel_loop3A_424] : memref<1632xf32, #tpu.memory_space<vmem>>[vector<16xi32>], vector<16xf32>,
          %parallel_loop3A_426 = arith.addf %parallel_loop3A_406, %parallel_loop3A_425 : vector<16xf32>
          %parallel_loop3A_427 = arith.constant 17 : i32
          %parallel_loop3A_428 = vector.broadcast %parallel_loop3A_427 : i32 to vector<16xi32>
          %parallel_loop3A_429 = arith.muli %iota3A, %parallel_loop3A_428 : vector<16xi32>
          %parallel_loop3A_430 = vector.broadcast %parallel_loop3A_354 : i32 to vector<16xi32>
          %parallel_loop3A_431 = arith.addi %parallel_loop3A_430, %parallel_loop3A_429 : vector<16xi32>
          %parallel_loop3A_432 = arith.constant 4 : i32
          %parallel_loop3A_433 = vector.broadcast %parallel_loop3A_432 : i32 to vector<16xi32>
          %parallel_loop3A_434 = arith.addi %parallel_loop3A_431, %parallel_loop3A_433 : vector<16xi32>
          %parallel_loop3A_435 = tpu.vector_load_idx %arg8[%parallel_loop3A_434] : memref<1632xf32, #tpu.memory_space<vmem>>[vector<16xi32>], vector<16xf32>,
          %parallel_loop3A_436 = arith.addf %parallel_loop3A_416, %parallel_loop3A_435 : vector<16xf32>
          %parallel_loop3A_437 = arith.constant 17 : i32
          %parallel_loop3A_438 = vector.broadcast %parallel_loop3A_437 : i32 to vector<16xi32>
          %parallel_loop3A_439 = arith.muli %iota3A, %parallel_loop3A_438 : vector<16xi32>
          %parallel_loop3A_440 = vector.broadcast %parallel_loop3A_354 : i32 to vector<16xi32>
          %parallel_loop3A_441 = arith.addi %parallel_loop3A_440, %parallel_loop3A_439 : vector<16xi32>
          %parallel_loop3A_442 = arith.constant 4 : i32
          %parallel_loop3A_443 = vector.broadcast %parallel_loop3A_442 : i32 to vector<16xi32>
          %parallel_loop3A_444 = arith.addi %parallel_loop3A_441, %parallel_loop3A_443 : vector<16xi32>
          %parallel_loop3A_445 = tpu.vector_load_idx %arg9[%parallel_loop3A_444] : memref<1632xf32, #tpu.memory_space<vmem>>[vector<16xi32>], vector<16xf32>,
          %parallel_loop3A_446 = arith.addf %parallel_loop3A_426, %parallel_loop3A_445 : vector<16xf32>
          %parallel_loop3A_447 = arith.constant 17 : i32
          %parallel_loop3A_448 = vector.broadcast %parallel_loop3A_447 : i32 to vector<16xi32>
          %parallel_loop3A_449 = arith.muli %iota3A, %parallel_loop3A_448 : vector<16xi32>
          %parallel_loop3A_450 = vector.broadcast %parallel_loop3A_354 : i32 to vector<16xi32>
          %parallel_loop3A_451 = arith.addi %parallel_loop3A_450, %parallel_loop3A_449 : vector<16xi32>
          %parallel_loop3A_452 = arith.constant 5 : i32
          %parallel_loop3A_453 = vector.broadcast %parallel_loop3A_452 : i32 to vector<16xi32>
          %parallel_loop3A_454 = arith.addi %parallel_loop3A_451, %parallel_loop3A_453 : vector<16xi32>
          %parallel_loop3A_455 = tpu.vector_load_idx %arg8[%parallel_loop3A_454] : memref<1632xf32, #tpu.memory_space<vmem>>[vector<16xi32>], vector<16xf32>,
          %parallel_loop3A_456 = arith.addf %parallel_loop3A_436, %parallel_loop3A_455 : vector<16xf32>
          %parallel_loop3A_457 = arith.constant 17 : i32
          %parallel_loop3A_458 = vector.broadcast %parallel_loop3A_457 : i32 to vector<16xi32>
          %parallel_loop3A_459 = arith.muli %iota3A, %parallel_loop3A_458 : vector<16xi32>
          %parallel_loop3A_460 = vector.broadcast %parallel_loop3A_354 : i32 to vector<16xi32>
          %parallel_loop3A_461 = arith.addi %parallel_loop3A_460, %parallel_loop3A_459 : vector<16xi32>
          %parallel_loop3A_462 = arith.constant 5 : i32
          %parallel_loop3A_463 = vector.broadcast %parallel_loop3A_462 : i32 to vector<16xi32>
          %parallel_loop3A_464 = arith.addi %parallel_loop3A_461, %parallel_loop3A_463 : vector<16xi32>
          %parallel_loop3A_465 = tpu.vector_load_idx %arg9[%parallel_loop3A_464] : memref<1632xf32, #tpu.memory_space<vmem>>[vector<16xi32>], vector<16xf32>,
          %parallel_loop3A_466 = arith.addf %parallel_loop3A_446, %parallel_loop3A_465 : vector<16xf32>
          %parallel_loop3A_467 = arith.constant 17 : i32
          %parallel_loop3A_468 = vector.broadcast %parallel_loop3A_467 : i32 to vector<16xi32>
          %parallel_loop3A_469 = arith.muli %iota3A, %parallel_loop3A_468 : vector<16xi32>
          %parallel_loop3A_470 = vector.broadcast %parallel_loop3A_354 : i32 to vector<16xi32>
          %parallel_loop3A_471 = arith.addi %parallel_loop3A_470, %parallel_loop3A_469 : vector<16xi32>
          %parallel_loop3A_472 = arith.constant 6 : i32
          %parallel_loop3A_473 = vector.broadcast %parallel_loop3A_472 : i32 to vector<16xi32>
          %parallel_loop3A_474 = arith.addi %parallel_loop3A_471, %parallel_loop3A_473 : vector<16xi32>
          %parallel_loop3A_475 = tpu.vector_load_idx %arg8[%parallel_loop3A_474] : memref<1632xf32, #tpu.memory_space<vmem>>[vector<16xi32>], vector<16xf32>,
          %parallel_loop3A_476 = arith.addf %parallel_loop3A_456, %parallel_loop3A_475 : vector<16xf32>
          %parallel_loop3A_477 = arith.constant 17 : i32
          %parallel_loop3A_478 = vector.broadcast %parallel_loop3A_477 : i32 to vector<16xi32>
          %parallel_loop3A_479 = arith.muli %iota3A, %parallel_loop3A_478 : vector<16xi32>
          %parallel_loop3A_480 = vector.broadcast %parallel_loop3A_354 : i32 to vector<16xi32>
          %parallel_loop3A_481 = arith.addi %parallel_loop3A_480, %parallel_loop3A_479 : vector<16xi32>
          %parallel_loop3A_482 = arith.constant 6 : i32
          %parallel_loop3A_483 = vector.broadcast %parallel_loop3A_482 : i32 to vector<16xi32>
          %parallel_loop3A_484 = arith.addi %parallel_loop3A_481, %parallel_loop3A_483 : vector<16xi32>
          %parallel_loop3A_485 = tpu.vector_load_idx %arg9[%parallel_loop3A_484] : memref<1632xf32, #tpu.memory_space<vmem>>[vector<16xi32>], vector<16xf32>,
          %parallel_loop3A_486 = arith.addf %parallel_loop3A_466, %parallel_loop3A_485 : vector<16xf32>
          %parallel_loop3A_487 = arith.constant 17 : i32
          %parallel_loop3A_488 = vector.broadcast %parallel_loop3A_487 : i32 to vector<16xi32>
          %parallel_loop3A_489 = arith.muli %iota3A, %parallel_loop3A_488 : vector<16xi32>
          %parallel_loop3A_490 = vector.broadcast %parallel_loop3A_354 : i32 to vector<16xi32>
          %parallel_loop3A_491 = arith.addi %parallel_loop3A_490, %parallel_loop3A_489 : vector<16xi32>
          %parallel_loop3A_492 = arith.constant 7 : i32
          %parallel_loop3A_493 = vector.broadcast %parallel_loop3A_492 : i32 to vector<16xi32>
          %parallel_loop3A_494 = arith.addi %parallel_loop3A_491, %parallel_loop3A_493 : vector<16xi32>
          %parallel_loop3A_495 = tpu.vector_load_idx %arg8[%parallel_loop3A_494] : memref<1632xf32, #tpu.memory_space<vmem>>[vector<16xi32>], vector<16xf32>,
          %parallel_loop3A_496 = arith.addf %parallel_loop3A_476, %parallel_loop3A_495 : vector<16xf32>
          %parallel_loop3A_497 = arith.constant 17 : i32
          %parallel_loop3A_498 = vector.broadcast %parallel_loop3A_497 : i32 to vector<16xi32>
          %parallel_loop3A_499 = arith.muli %iota3A, %parallel_loop3A_498 : vector<16xi32>
          %parallel_loop3A_500 = vector.broadcast %parallel_loop3A_354 : i32 to vector<16xi32>
          %parallel_loop3A_501 = arith.addi %parallel_loop3A_500, %parallel_loop3A_499 : vector<16xi32>
          %parallel_loop3A_502 = arith.constant 7 : i32
          %parallel_loop3A_503 = vector.broadcast %parallel_loop3A_502 : i32 to vector<16xi32>
          %parallel_loop3A_504 = arith.addi %parallel_loop3A_501, %parallel_loop3A_503 : vector<16xi32>
          %parallel_loop3A_505 = tpu.vector_load_idx %arg9[%parallel_loop3A_504] : memref<1632xf32, #tpu.memory_space<vmem>>[vector<16xi32>], vector<16xf32>,
          %parallel_loop3A_506 = arith.addf %parallel_loop3A_486, %parallel_loop3A_505 : vector<16xf32>
          %parallel_loop3A_507 = arith.constant 17 : i32
          %parallel_loop3A_508 = vector.broadcast %parallel_loop3A_507 : i32 to vector<16xi32>
          %parallel_loop3A_509 = arith.muli %iota3A, %parallel_loop3A_508 : vector<16xi32>
          %parallel_loop3A_510 = vector.broadcast %parallel_loop3A_354 : i32 to vector<16xi32>
          %parallel_loop3A_511 = arith.addi %parallel_loop3A_510, %parallel_loop3A_509 : vector<16xi32>
          %parallel_loop3A_512 = arith.constant 8 : i32
          %parallel_loop3A_513 = vector.broadcast %parallel_loop3A_512 : i32 to vector<16xi32>
          %parallel_loop3A_514 = arith.addi %parallel_loop3A_511, %parallel_loop3A_513 : vector<16xi32>
          %parallel_loop3A_515 = tpu.vector_load_idx %arg8[%parallel_loop3A_514] : memref<1632xf32, #tpu.memory_space<vmem>>[vector<16xi32>], vector<16xf32>,
          %parallel_loop3A_516 = arith.addf %parallel_loop3A_496, %parallel_loop3A_515 : vector<16xf32>
          %parallel_loop3A_517 = arith.constant 17 : i32
          %parallel_loop3A_518 = vector.broadcast %parallel_loop3A_517 : i32 to vector<16xi32>
          %parallel_loop3A_519 = arith.muli %iota3A, %parallel_loop3A_518 : vector<16xi32>
          %parallel_loop3A_520 = vector.broadcast %parallel_loop3A_354 : i32 to vector<16xi32>
          %parallel_loop3A_521 = arith.addi %parallel_loop3A_520, %parallel_loop3A_519 : vector<16xi32>
          %parallel_loop3A_522 = arith.constant 8 : i32
          %parallel_loop3A_523 = vector.broadcast %parallel_loop3A_522 : i32 to vector<16xi32>
          %parallel_loop3A_524 = arith.addi %parallel_loop3A_521, %parallel_loop3A_523 : vector<16xi32>
          %parallel_loop3A_525 = tpu.vector_load_idx %arg9[%parallel_loop3A_524] : memref<1632xf32, #tpu.memory_space<vmem>>[vector<16xi32>], vector<16xf32>,
          %parallel_loop3A_526 = arith.addf %parallel_loop3A_506, %parallel_loop3A_525 : vector<16xf32>
          %parallel_loop3A_527 = arith.constant 17 : i32
          %parallel_loop3A_528 = vector.broadcast %parallel_loop3A_527 : i32 to vector<16xi32>
          %parallel_loop3A_529 = arith.muli %iota3A, %parallel_loop3A_528 : vector<16xi32>
          %parallel_loop3A_530 = vector.broadcast %parallel_loop3A_354 : i32 to vector<16xi32>
          %parallel_loop3A_531 = arith.addi %parallel_loop3A_530, %parallel_loop3A_529 : vector<16xi32>
          %parallel_loop3A_532 = arith.constant 9 : i32
          %parallel_loop3A_533 = vector.broadcast %parallel_loop3A_532 : i32 to vector<16xi32>
          %parallel_loop3A_534 = arith.addi %parallel_loop3A_531, %parallel_loop3A_533 : vector<16xi32>
          %parallel_loop3A_535 = tpu.vector_load_idx %arg8[%parallel_loop3A_534] : memref<1632xf32, #tpu.memory_space<vmem>>[vector<16xi32>], vector<16xf32>,
          %parallel_loop3A_536 = arith.addf %parallel_loop3A_516, %parallel_loop3A_535 : vector<16xf32>
          %parallel_loop3A_537 = arith.constant 17 : i32
          %parallel_loop3A_538 = vector.broadcast %parallel_loop3A_537 : i32 to vector<16xi32>
          %parallel_loop3A_539 = arith.muli %iota3A, %parallel_loop3A_538 : vector<16xi32>
          %parallel_loop3A_540 = vector.broadcast %parallel_loop3A_354 : i32 to vector<16xi32>
          %parallel_loop3A_541 = arith.addi %parallel_loop3A_540, %parallel_loop3A_539 : vector<16xi32>
          %parallel_loop3A_542 = arith.constant 9 : i32
          %parallel_loop3A_543 = vector.broadcast %parallel_loop3A_542 : i32 to vector<16xi32>
          %parallel_loop3A_544 = arith.addi %parallel_loop3A_541, %parallel_loop3A_543 : vector<16xi32>
          %parallel_loop3A_545 = tpu.vector_load_idx %arg9[%parallel_loop3A_544] : memref<1632xf32, #tpu.memory_space<vmem>>[vector<16xi32>], vector<16xf32>,
          %parallel_loop3A_546 = arith.addf %parallel_loop3A_526, %parallel_loop3A_545 : vector<16xf32>
          %parallel_loop3A_547 = arith.constant 17 : i32
          %parallel_loop3A_548 = vector.broadcast %parallel_loop3A_547 : i32 to vector<16xi32>
          %parallel_loop3A_549 = arith.muli %iota3A, %parallel_loop3A_548 : vector<16xi32>
          %parallel_loop3A_550 = vector.broadcast %parallel_loop3A_354 : i32 to vector<16xi32>
          %parallel_loop3A_551 = arith.addi %parallel_loop3A_550, %parallel_loop3A_549 : vector<16xi32>
          %parallel_loop3A_552 = arith.constant 10 : i32
          %parallel_loop3A_553 = vector.broadcast %parallel_loop3A_552 : i32 to vector<16xi32>
          %parallel_loop3A_554 = arith.addi %parallel_loop3A_551, %parallel_loop3A_553 : vector<16xi32>
          %parallel_loop3A_555 = tpu.vector_load_idx %arg8[%parallel_loop3A_554] : memref<1632xf32, #tpu.memory_space<vmem>>[vector<16xi32>], vector<16xf32>,
          %parallel_loop3A_556 = arith.addf %parallel_loop3A_536, %parallel_loop3A_555 : vector<16xf32>
          %parallel_loop3A_557 = arith.constant 17 : i32
          %parallel_loop3A_558 = vector.broadcast %parallel_loop3A_557 : i32 to vector<16xi32>
          %parallel_loop3A_559 = arith.muli %iota3A, %parallel_loop3A_558 : vector<16xi32>
          %parallel_loop3A_560 = vector.broadcast %parallel_loop3A_354 : i32 to vector<16xi32>
          %parallel_loop3A_561 = arith.addi %parallel_loop3A_560, %parallel_loop3A_559 : vector<16xi32>
          %parallel_loop3A_562 = arith.constant 10 : i32
          %parallel_loop3A_563 = vector.broadcast %parallel_loop3A_562 : i32 to vector<16xi32>
          %parallel_loop3A_564 = arith.addi %parallel_loop3A_561, %parallel_loop3A_563 : vector<16xi32>
          %parallel_loop3A_565 = tpu.vector_load_idx %arg9[%parallel_loop3A_564] : memref<1632xf32, #tpu.memory_space<vmem>>[vector<16xi32>], vector<16xf32>,
          %parallel_loop3A_566 = arith.addf %parallel_loop3A_546, %parallel_loop3A_565 : vector<16xf32>
          %parallel_loop3A_567 = arith.constant 17 : i32
          %parallel_loop3A_568 = vector.broadcast %parallel_loop3A_567 : i32 to vector<16xi32>
          %parallel_loop3A_569 = arith.muli %iota3A, %parallel_loop3A_568 : vector<16xi32>
          %parallel_loop3A_570 = vector.broadcast %parallel_loop3A_354 : i32 to vector<16xi32>
          %parallel_loop3A_571 = arith.addi %parallel_loop3A_570, %parallel_loop3A_569 : vector<16xi32>
          %parallel_loop3A_572 = arith.constant 11 : i32
          %parallel_loop3A_573 = vector.broadcast %parallel_loop3A_572 : i32 to vector<16xi32>
          %parallel_loop3A_574 = arith.addi %parallel_loop3A_571, %parallel_loop3A_573 : vector<16xi32>
          %parallel_loop3A_575 = tpu.vector_load_idx %arg8[%parallel_loop3A_574] : memref<1632xf32, #tpu.memory_space<vmem>>[vector<16xi32>], vector<16xf32>,
          %parallel_loop3A_576 = arith.addf %parallel_loop3A_556, %parallel_loop3A_575 : vector<16xf32>
          %parallel_loop3A_577 = arith.constant 17 : i32
          %parallel_loop3A_578 = vector.broadcast %parallel_loop3A_577 : i32 to vector<16xi32>
          %parallel_loop3A_579 = arith.muli %iota3A, %parallel_loop3A_578 : vector<16xi32>
          %parallel_loop3A_580 = vector.broadcast %parallel_loop3A_354 : i32 to vector<16xi32>
          %parallel_loop3A_581 = arith.addi %parallel_loop3A_580, %parallel_loop3A_579 : vector<16xi32>
          %parallel_loop3A_582 = arith.constant 11 : i32
          %parallel_loop3A_583 = vector.broadcast %parallel_loop3A_582 : i32 to vector<16xi32>
          %parallel_loop3A_584 = arith.addi %parallel_loop3A_581, %parallel_loop3A_583 : vector<16xi32>
          %parallel_loop3A_585 = tpu.vector_load_idx %arg9[%parallel_loop3A_584] : memref<1632xf32, #tpu.memory_space<vmem>>[vector<16xi32>], vector<16xf32>,
          %parallel_loop3A_586 = arith.addf %parallel_loop3A_566, %parallel_loop3A_585 : vector<16xf32>
          %parallel_loop3A_587 = arith.constant 17 : i32
          %parallel_loop3A_588 = vector.broadcast %parallel_loop3A_587 : i32 to vector<16xi32>
          %parallel_loop3A_589 = arith.muli %iota3A, %parallel_loop3A_588 : vector<16xi32>
          %parallel_loop3A_590 = vector.broadcast %parallel_loop3A_354 : i32 to vector<16xi32>
          %parallel_loop3A_591 = arith.addi %parallel_loop3A_590, %parallel_loop3A_589 : vector<16xi32>
          %parallel_loop3A_592 = arith.constant 12 : i32
          %parallel_loop3A_593 = vector.broadcast %parallel_loop3A_592 : i32 to vector<16xi32>
          %parallel_loop3A_594 = arith.addi %parallel_loop3A_591, %parallel_loop3A_593 : vector<16xi32>
          %parallel_loop3A_595 = tpu.vector_load_idx %arg8[%parallel_loop3A_594] : memref<1632xf32, #tpu.memory_space<vmem>>[vector<16xi32>], vector<16xf32>,
          %parallel_loop3A_596 = arith.addf %parallel_loop3A_576, %parallel_loop3A_595 : vector<16xf32>
          %parallel_loop3A_597 = arith.constant 17 : i32
          %parallel_loop3A_598 = vector.broadcast %parallel_loop3A_597 : i32 to vector<16xi32>
          %parallel_loop3A_599 = arith.muli %iota3A, %parallel_loop3A_598 : vector<16xi32>
          %parallel_loop3A_600 = vector.broadcast %parallel_loop3A_354 : i32 to vector<16xi32>
          %parallel_loop3A_601 = arith.addi %parallel_loop3A_600, %parallel_loop3A_599 : vector<16xi32>
          %parallel_loop3A_602 = arith.constant 12 : i32
          %parallel_loop3A_603 = vector.broadcast %parallel_loop3A_602 : i32 to vector<16xi32>
          %parallel_loop3A_604 = arith.addi %parallel_loop3A_601, %parallel_loop3A_603 : vector<16xi32>
          %parallel_loop3A_605 = tpu.vector_load_idx %arg9[%parallel_loop3A_604] : memref<1632xf32, #tpu.memory_space<vmem>>[vector<16xi32>], vector<16xf32>,
          %parallel_loop3A_606 = arith.addf %parallel_loop3A_586, %parallel_loop3A_605 : vector<16xf32>
          %parallel_loop3A_607 = arith.constant 17 : i32
          %parallel_loop3A_608 = vector.broadcast %parallel_loop3A_607 : i32 to vector<16xi32>
          %parallel_loop3A_609 = arith.muli %iota3A, %parallel_loop3A_608 : vector<16xi32>
          %parallel_loop3A_610 = vector.broadcast %parallel_loop3A_354 : i32 to vector<16xi32>
          %parallel_loop3A_611 = arith.addi %parallel_loop3A_610, %parallel_loop3A_609 : vector<16xi32>
          %parallel_loop3A_612 = arith.constant 13 : i32
          %parallel_loop3A_613 = vector.broadcast %parallel_loop3A_612 : i32 to vector<16xi32>
          %parallel_loop3A_614 = arith.addi %parallel_loop3A_611, %parallel_loop3A_613 : vector<16xi32>
          %parallel_loop3A_615 = tpu.vector_load_idx %arg8[%parallel_loop3A_614] : memref<1632xf32, #tpu.memory_space<vmem>>[vector<16xi32>], vector<16xf32>,
          %parallel_loop3A_616 = arith.addf %parallel_loop3A_596, %parallel_loop3A_615 : vector<16xf32>
          %parallel_loop3A_617 = arith.constant 17 : i32
          %parallel_loop3A_618 = vector.broadcast %parallel_loop3A_617 : i32 to vector<16xi32>
          %parallel_loop3A_619 = arith.muli %iota3A, %parallel_loop3A_618 : vector<16xi32>
          %parallel_loop3A_620 = vector.broadcast %parallel_loop3A_354 : i32 to vector<16xi32>
          %parallel_loop3A_621 = arith.addi %parallel_loop3A_620, %parallel_loop3A_619 : vector<16xi32>
          %parallel_loop3A_622 = arith.constant 13 : i32
          %parallel_loop3A_623 = vector.broadcast %parallel_loop3A_622 : i32 to vector<16xi32>
          %parallel_loop3A_624 = arith.addi %parallel_loop3A_621, %parallel_loop3A_623 : vector<16xi32>
          %parallel_loop3A_625 = tpu.vector_load_idx %arg9[%parallel_loop3A_624] : memref<1632xf32, #tpu.memory_space<vmem>>[vector<16xi32>], vector<16xf32>,
          %parallel_loop3A_626 = arith.addf %parallel_loop3A_606, %parallel_loop3A_625 : vector<16xf32>
          %parallel_loop3A_627 = arith.constant 17 : i32
          %parallel_loop3A_628 = vector.broadcast %parallel_loop3A_627 : i32 to vector<16xi32>
          %parallel_loop3A_629 = arith.muli %iota3A, %parallel_loop3A_628 : vector<16xi32>
          %parallel_loop3A_630 = vector.broadcast %parallel_loop3A_354 : i32 to vector<16xi32>
          %parallel_loop3A_631 = arith.addi %parallel_loop3A_630, %parallel_loop3A_629 : vector<16xi32>
          %parallel_loop3A_632 = arith.constant 14 : i32
          %parallel_loop3A_633 = vector.broadcast %parallel_loop3A_632 : i32 to vector<16xi32>
          %parallel_loop3A_634 = arith.addi %parallel_loop3A_631, %parallel_loop3A_633 : vector<16xi32>
          %parallel_loop3A_635 = tpu.vector_load_idx %arg8[%parallel_loop3A_634] : memref<1632xf32, #tpu.memory_space<vmem>>[vector<16xi32>], vector<16xf32>,
          %parallel_loop3A_636 = arith.addf %parallel_loop3A_616, %parallel_loop3A_635 : vector<16xf32>
          %parallel_loop3A_637 = arith.constant 17 : i32
          %parallel_loop3A_638 = vector.broadcast %parallel_loop3A_637 : i32 to vector<16xi32>
          %parallel_loop3A_639 = arith.muli %iota3A, %parallel_loop3A_638 : vector<16xi32>
          %parallel_loop3A_640 = vector.broadcast %parallel_loop3A_354 : i32 to vector<16xi32>
          %parallel_loop3A_641 = arith.addi %parallel_loop3A_640, %parallel_loop3A_639 : vector<16xi32>
          %parallel_loop3A_642 = arith.constant 14 : i32
          %parallel_loop3A_643 = vector.broadcast %parallel_loop3A_642 : i32 to vector<16xi32>
          %parallel_loop3A_644 = arith.addi %parallel_loop3A_641, %parallel_loop3A_643 : vector<16xi32>
          %parallel_loop3A_645 = tpu.vector_load_idx %arg9[%parallel_loop3A_644] : memref<1632xf32, #tpu.memory_space<vmem>>[vector<16xi32>], vector<16xf32>,
          %parallel_loop3A_646 = arith.addf %parallel_loop3A_626, %parallel_loop3A_645 : vector<16xf32>
          %parallel_loop3A_647 = arith.constant 17 : i32
          %parallel_loop3A_648 = vector.broadcast %parallel_loop3A_647 : i32 to vector<16xi32>
          %parallel_loop3A_649 = arith.muli %iota3A, %parallel_loop3A_648 : vector<16xi32>
          %parallel_loop3A_650 = vector.broadcast %parallel_loop3A_354 : i32 to vector<16xi32>
          %parallel_loop3A_651 = arith.addi %parallel_loop3A_650, %parallel_loop3A_649 : vector<16xi32>
          %parallel_loop3A_652 = arith.constant 15 : i32
          %parallel_loop3A_653 = vector.broadcast %parallel_loop3A_652 : i32 to vector<16xi32>
          %parallel_loop3A_654 = arith.addi %parallel_loop3A_651, %parallel_loop3A_653 : vector<16xi32>
          %parallel_loop3A_655 = tpu.vector_load_idx %arg8[%parallel_loop3A_654] : memref<1632xf32, #tpu.memory_space<vmem>>[vector<16xi32>], vector<16xf32>,
          %parallel_loop3A_656 = arith.addf %parallel_loop3A_636, %parallel_loop3A_655 : vector<16xf32>
          %parallel_loop3A_657 = arith.constant 17 : i32
          %parallel_loop3A_658 = vector.broadcast %parallel_loop3A_657 : i32 to vector<16xi32>
          %parallel_loop3A_659 = arith.muli %iota3A, %parallel_loop3A_658 : vector<16xi32>
          %parallel_loop3A_660 = vector.broadcast %parallel_loop3A_354 : i32 to vector<16xi32>
          %parallel_loop3A_661 = arith.addi %parallel_loop3A_660, %parallel_loop3A_659 : vector<16xi32>
          %parallel_loop3A_662 = arith.constant 15 : i32
          %parallel_loop3A_663 = vector.broadcast %parallel_loop3A_662 : i32 to vector<16xi32>
          %parallel_loop3A_664 = arith.addi %parallel_loop3A_661, %parallel_loop3A_663 : vector<16xi32>
          %parallel_loop3A_665 = tpu.vector_load_idx %arg9[%parallel_loop3A_664] : memref<1632xf32, #tpu.memory_space<vmem>>[vector<16xi32>], vector<16xf32>,
          %parallel_loop3A_666 = arith.addf %parallel_loop3A_646, %parallel_loop3A_665 : vector<16xf32>
          %parallel_loop3A_667 = arith.constant 16 : i32
          %parallel_loop3A_668 = arith.muli %parallel_loop3A_351, %parallel_loop3A_667 : i32
          %parallel_loop3A_669 = vector.broadcast %parallel_loop3A_668 : i32 to vector<16xi32>
          %parallel_loop3A_670 = arith.addi %parallel_loop3A_669, %iota3A : vector<16xi32>
          %parallel_loop3A_671 = arith.addf %parallel_loop3A_138, %parallel_loop3A_666 : vector<16xf32>
          %parallel_loop3A_672 = arith.constant 2.000000e+00 : f32
          %parallel_loop3A_673 = vector.broadcast %parallel_loop3A_672 : f32 to vector<16xf32>
          %parallel_loop3A_674 = arith.mulf %parallel_loop3A_673, %parallel_loop3A_656 : vector<16xf32>
          %parallel_loop3A_675 = arith.subf %parallel_loop3A_671, %parallel_loop3A_674 : vector<16xf32>
          %parallel_loop3A_676 = arith.constant 2.000000e+00 : f32
          %parallel_loop3A_677 = vector.broadcast %parallel_loop3A_676 : f32 to vector<16xf32>
          %parallel_loop3A_678 = arith.mulf %parallel_loop3A_677, %parallel_loop3A_675 : vector<16xf32>
          %parallel_loop3A_679 = arith.constant 1.000000e+00 : f32
          %parallel_loop3A_680 = vector.broadcast %parallel_loop3A_679 : f32 to vector<16xf32>
          %parallel_loop3A_681 = arith.subf %parallel_loop3A_680, %parallel_loop3A_138 : vector<16xf32>
          %parallel_loop3A_682 = arith.constant 1.000000e+00 : f32
          %parallel_loop3A_683 = vector.broadcast %parallel_loop3A_682 : f32 to vector<16xf32>
          %parallel_loop3A_684 = arith.subf %parallel_loop3A_683, %parallel_loop3A_666 : vector<16xf32>
          %parallel_loop3A_685 = arith.mulf %parallel_loop3A_681, %parallel_loop3A_684 : vector<16xf32>
          %parallel_loop3A_686 = arith.divf %parallel_loop3A_678, %parallel_loop3A_685 : vector<16xf32>
          %parallel_loop3A_687 = arith.constant 1.000000e+00 : f32
          %parallel_loop3A_688 = vector.broadcast %parallel_loop3A_687 : f32 to vector<16xf32>
          %parallel_loop3A_689 = arith.addf %parallel_loop3A_688, %parallel_loop3A_686 : vector<16xf32>
          %parallel_loop3A_690 = arith.constant 1.000000e-07 : f32
          %parallel_loop3A_691 = vector.broadcast %parallel_loop3A_690 : f32 to vector<16xf32>
          %parallel_loop3A_692 = arith.addf %parallel_loop3A_689, %parallel_loop3A_691 : vector<16xf32>
          tpu.vector_store_idx %arg7[%parallel_loop3A_143, %parallel_loop3A_670], %parallel_loop3A_692 : memref<128x49xf32, #tpu.memory_space<vmem>>[vector<16xi32>, vector<16xi32>], vector<16xf32>,
        } {sc.loop_unroll_factor = 1 : i64, sc.parallel_access}
        %parallel_loop3A_152 = arith.constant 49 : i32
        %parallel_loop3A_153 = arith.addi %parallel_loop3A_43, %parallel_loop3A_152 : i32
        %parallel_loop3A_154 = arith.index_cast %parallel_loop3A_153 : i32 to index
        %parallel_loop3A_155 = arith.constant 0 : index
        %parallel_loop3A_156 = tpu.vector_load %arg6[%parallel_loop3A_154, %parallel_loop3A_155] {strides = array<i32>} : memref<400x128xf32, #tpu.memory_space<vmem>>, vector<16xf32>,
        %parallel_loop3A_157 = arith.mulf %parallel_loop3A_46, %parallel_loop3A_156 : vector<16xf32>
        %parallel_loop3A_158 = arith.mulf %parallel_loop3A_156, %parallel_loop3A_156 : vector<16xf32>
        %parallel_loop3A_159 = arith.index_cast %parallel_loop3A_153 : i32 to index
        %parallel_loop3A_160 = arith.constant 16 : index
        %parallel_loop3A_161 = tpu.vector_load %arg6[%parallel_loop3A_159, %parallel_loop3A_160] {strides = array<i32>} : memref<400x128xf32, #tpu.memory_space<vmem>>, vector<16xf32>,
        %parallel_loop3A_162 = arith.mulf %parallel_loop3A_49, %parallel_loop3A_161 : vector<16xf32>
        %parallel_loop3A_163 = arith.addf %parallel_loop3A_157, %parallel_loop3A_162 : vector<16xf32>
        %parallel_loop3A_164 = arith.mulf %parallel_loop3A_161, %parallel_loop3A_161 : vector<16xf32>
        %parallel_loop3A_165 = arith.addf %parallel_loop3A_158, %parallel_loop3A_164 : vector<16xf32>
        %parallel_loop3A_166 = arith.index_cast %parallel_loop3A_153 : i32 to index
        %parallel_loop3A_167 = arith.constant 32 : index
        %parallel_loop3A_168 = tpu.vector_load %arg6[%parallel_loop3A_166, %parallel_loop3A_167] {strides = array<i32>} : memref<400x128xf32, #tpu.memory_space<vmem>>, vector<16xf32>,
        %parallel_loop3A_169 = arith.mulf %parallel_loop3A_52, %parallel_loop3A_168 : vector<16xf32>
        %parallel_loop3A_170 = arith.addf %parallel_loop3A_163, %parallel_loop3A_169 : vector<16xf32>
        %parallel_loop3A_171 = arith.mulf %parallel_loop3A_168, %parallel_loop3A_168 : vector<16xf32>
        %parallel_loop3A_172 = arith.addf %parallel_loop3A_165, %parallel_loop3A_171 : vector<16xf32>
        %parallel_loop3A_173 = arith.index_cast %parallel_loop3A_153 : i32 to index
        %parallel_loop3A_174 = arith.constant 48 : index
        %parallel_loop3A_175 = tpu.vector_load %arg6[%parallel_loop3A_173, %parallel_loop3A_174] {strides = array<i32>} : memref<400x128xf32, #tpu.memory_space<vmem>>, vector<16xf32>,
        %parallel_loop3A_176 = arith.mulf %parallel_loop3A_55, %parallel_loop3A_175 : vector<16xf32>
        %parallel_loop3A_177 = arith.addf %parallel_loop3A_170, %parallel_loop3A_176 : vector<16xf32>
        %parallel_loop3A_178 = arith.mulf %parallel_loop3A_175, %parallel_loop3A_175 : vector<16xf32>
        %parallel_loop3A_179 = arith.addf %parallel_loop3A_172, %parallel_loop3A_178 : vector<16xf32>
        %parallel_loop3A_180 = arith.index_cast %parallel_loop3A_153 : i32 to index
        %parallel_loop3A_181 = arith.constant 64 : index
        %parallel_loop3A_182 = tpu.vector_load %arg6[%parallel_loop3A_180, %parallel_loop3A_181] {strides = array<i32>} : memref<400x128xf32, #tpu.memory_space<vmem>>, vector<16xf32>,
        %parallel_loop3A_183 = arith.mulf %parallel_loop3A_58, %parallel_loop3A_182 : vector<16xf32>
        %parallel_loop3A_184 = arith.addf %parallel_loop3A_177, %parallel_loop3A_183 : vector<16xf32>
        %parallel_loop3A_185 = arith.mulf %parallel_loop3A_182, %parallel_loop3A_182 : vector<16xf32>
        %parallel_loop3A_186 = arith.addf %parallel_loop3A_179, %parallel_loop3A_185 : vector<16xf32>
        %parallel_loop3A_187 = arith.index_cast %parallel_loop3A_153 : i32 to index
        %parallel_loop3A_188 = arith.constant 80 : index
        %parallel_loop3A_189 = tpu.vector_load %arg6[%parallel_loop3A_187, %parallel_loop3A_188] {strides = array<i32>} : memref<400x128xf32, #tpu.memory_space<vmem>>, vector<16xf32>,
        %parallel_loop3A_190 = arith.mulf %parallel_loop3A_61, %parallel_loop3A_189 : vector<16xf32>
        %parallel_loop3A_191 = arith.addf %parallel_loop3A_184, %parallel_loop3A_190 : vector<16xf32>
        %parallel_loop3A_192 = arith.mulf %parallel_loop3A_189, %parallel_loop3A_189 : vector<16xf32>
        %parallel_loop3A_193 = arith.addf %parallel_loop3A_186, %parallel_loop3A_192 : vector<16xf32>
        %parallel_loop3A_194 = arith.index_cast %parallel_loop3A_153 : i32 to index
        %parallel_loop3A_195 = arith.constant 96 : index
        %parallel_loop3A_196 = tpu.vector_load %arg6[%parallel_loop3A_194, %parallel_loop3A_195] {strides = array<i32>} : memref<400x128xf32, #tpu.memory_space<vmem>>, vector<16xf32>,
        %parallel_loop3A_197 = arith.mulf %parallel_loop3A_64, %parallel_loop3A_196 : vector<16xf32>
        %parallel_loop3A_198 = arith.addf %parallel_loop3A_191, %parallel_loop3A_197 : vector<16xf32>
        %parallel_loop3A_199 = arith.mulf %parallel_loop3A_196, %parallel_loop3A_196 : vector<16xf32>
        %parallel_loop3A_200 = arith.addf %parallel_loop3A_193, %parallel_loop3A_199 : vector<16xf32>
        %parallel_loop3A_201 = arith.index_cast %parallel_loop3A_153 : i32 to index
        %parallel_loop3A_202 = arith.constant 112 : index
        %parallel_loop3A_203 = tpu.vector_load %arg6[%parallel_loop3A_201, %parallel_loop3A_202] {strides = array<i32>} : memref<400x128xf32, #tpu.memory_space<vmem>>, vector<16xf32>,
        %parallel_loop3A_204 = arith.mulf %parallel_loop3A_67, %parallel_loop3A_203 : vector<16xf32>
        %parallel_loop3A_205 = arith.addf %parallel_loop3A_198, %parallel_loop3A_204 : vector<16xf32>
        %parallel_loop3A_206 = arith.mulf %parallel_loop3A_203, %parallel_loop3A_203 : vector<16xf32>
        %parallel_loop3A_207 = arith.addf %parallel_loop3A_200, %parallel_loop3A_206 : vector<16xf32>
        %parallel_loop3A_208 = arith.constant 8 : i32
        %parallel_loop3A_209 = vector.broadcast %parallel_loop3A_208 : i32 to vector<16xi32>
        %parallel_loop3A_210 = arith.xori %iota3A, %parallel_loop3A_209 : vector<16xi32>
        %parallel_loop3A_211 = arith.constant 0 : i32
        %parallel_loop3A_212 = vector.broadcast %parallel_loop3A_211 : i32 to vector<16xi32>
        %parallel_loop3A_213 = arith.cmpi slt, %parallel_loop3A_210, %parallel_loop3A_212 : vector<16xi32>
        %parallel_loop3A_214 = arith.constant 16 : i32
        %parallel_loop3A_215 = vector.broadcast %parallel_loop3A_214 : i32 to vector<16xi32>
        %parallel_loop3A_216 = arith.addi %parallel_loop3A_210, %parallel_loop3A_215 : vector<16xi32>
        %parallel_loop3A_217 = arith.select %parallel_loop3A_213, %parallel_loop3A_216, %parallel_loop3A_210 : vector<16xi1>, vector<16xi32>
        %parallel_loop3A_218 = vector.shape_cast %parallel_loop3A_217 : vector<16xi32> to vector<16x1xi32>
        %parallel_loop3A_219 = vector.shape_cast %parallel_loop3A_218 : vector<16x1xi32> to vector<16xi32>
        %parallel_loop3A_220 = tpu.dynamic_gather %parallel_loop3A_205[%parallel_loop3A_219] in [0] : vector<16xf32>, vector<16xi32> -> vector<16xf32>
        %parallel_loop3A_221 = arith.addf %parallel_loop3A_205, %parallel_loop3A_220 : vector<16xf32>
        %parallel_loop3A_222 = arith.constant 4 : i32
        %parallel_loop3A_223 = vector.broadcast %parallel_loop3A_222 : i32 to vector<16xi32>
        %parallel_loop3A_224 = arith.xori %iota3A, %parallel_loop3A_223 : vector<16xi32>
        %parallel_loop3A_225 = arith.constant 0 : i32
        %parallel_loop3A_226 = vector.broadcast %parallel_loop3A_225 : i32 to vector<16xi32>
        %parallel_loop3A_227 = arith.cmpi slt, %parallel_loop3A_224, %parallel_loop3A_226 : vector<16xi32>
        %parallel_loop3A_228 = arith.constant 16 : i32
        %parallel_loop3A_229 = vector.broadcast %parallel_loop3A_228 : i32 to vector<16xi32>
        %parallel_loop3A_230 = arith.addi %parallel_loop3A_224, %parallel_loop3A_229 : vector<16xi32>
        %parallel_loop3A_231 = arith.select %parallel_loop3A_227, %parallel_loop3A_230, %parallel_loop3A_224 : vector<16xi1>, vector<16xi32>
        %parallel_loop3A_232 = vector.shape_cast %parallel_loop3A_231 : vector<16xi32> to vector<16x1xi32>
        %parallel_loop3A_233 = vector.shape_cast %parallel_loop3A_232 : vector<16x1xi32> to vector<16xi32>
        %parallel_loop3A_234 = tpu.dynamic_gather %parallel_loop3A_221[%parallel_loop3A_233] in [0] : vector<16xf32>, vector<16xi32> -> vector<16xf32>
        %parallel_loop3A_235 = arith.addf %parallel_loop3A_221, %parallel_loop3A_234 : vector<16xf32>
        %parallel_loop3A_236 = arith.constant 2 : i32
        %parallel_loop3A_237 = vector.broadcast %parallel_loop3A_236 : i32 to vector<16xi32>
        %parallel_loop3A_238 = arith.xori %iota3A, %parallel_loop3A_237 : vector<16xi32>
        %parallel_loop3A_239 = arith.constant 0 : i32
        %parallel_loop3A_240 = vector.broadcast %parallel_loop3A_239 : i32 to vector<16xi32>
        %parallel_loop3A_241 = arith.cmpi slt, %parallel_loop3A_238, %parallel_loop3A_240 : vector<16xi32>
        %parallel_loop3A_242 = arith.constant 16 : i32
        %parallel_loop3A_243 = vector.broadcast %parallel_loop3A_242 : i32 to vector<16xi32>
        %parallel_loop3A_244 = arith.addi %parallel_loop3A_238, %parallel_loop3A_243 : vector<16xi32>
        %parallel_loop3A_245 = arith.select %parallel_loop3A_241, %parallel_loop3A_244, %parallel_loop3A_238 : vector<16xi1>, vector<16xi32>
        %parallel_loop3A_246 = vector.shape_cast %parallel_loop3A_245 : vector<16xi32> to vector<16x1xi32>
        %parallel_loop3A_247 = vector.shape_cast %parallel_loop3A_246 : vector<16x1xi32> to vector<16xi32>
        %parallel_loop3A_248 = tpu.dynamic_gather %parallel_loop3A_235[%parallel_loop3A_247] in [0] : vector<16xf32>, vector<16xi32> -> vector<16xf32>
        %parallel_loop3A_249 = arith.addf %parallel_loop3A_235, %parallel_loop3A_248 : vector<16xf32>
        %parallel_loop3A_250 = arith.constant 1 : i32
        %parallel_loop3A_251 = vector.broadcast %parallel_loop3A_250 : i32 to vector<16xi32>
        %parallel_loop3A_252 = arith.xori %iota3A, %parallel_loop3A_251 : vector<16xi32>
        %parallel_loop3A_253 = arith.constant 0 : i32
        %parallel_loop3A_254 = vector.broadcast %parallel_loop3A_253 : i32 to vector<16xi32>
        %parallel_loop3A_255 = arith.cmpi slt, %parallel_loop3A_252, %parallel_loop3A_254 : vector<16xi32>
        %parallel_loop3A_256 = arith.constant 16 : i32
        %parallel_loop3A_257 = vector.broadcast %parallel_loop3A_256 : i32 to vector<16xi32>
        %parallel_loop3A_258 = arith.addi %parallel_loop3A_252, %parallel_loop3A_257 : vector<16xi32>
        %parallel_loop3A_259 = arith.select %parallel_loop3A_255, %parallel_loop3A_258, %parallel_loop3A_252 : vector<16xi1>, vector<16xi32>
        %parallel_loop3A_260 = vector.shape_cast %parallel_loop3A_259 : vector<16xi32> to vector<16x1xi32>
        %parallel_loop3A_261 = vector.shape_cast %parallel_loop3A_260 : vector<16x1xi32> to vector<16xi32>
        %parallel_loop3A_262 = tpu.dynamic_gather %parallel_loop3A_249[%parallel_loop3A_261] in [0] : vector<16xf32>, vector<16xi32> -> vector<16xf32>
        %parallel_loop3A_263 = arith.addf %parallel_loop3A_249, %parallel_loop3A_262 : vector<16xf32>
        %parallel_loop3A_264 = arith.constant 8 : i32
        %parallel_loop3A_265 = vector.broadcast %parallel_loop3A_264 : i32 to vector<16xi32>
        %parallel_loop3A_266 = arith.xori %iota3A, %parallel_loop3A_265 : vector<16xi32>
        %parallel_loop3A_267 = arith.constant 0 : i32
        %parallel_loop3A_268 = vector.broadcast %parallel_loop3A_267 : i32 to vector<16xi32>
        %parallel_loop3A_269 = arith.cmpi slt, %parallel_loop3A_266, %parallel_loop3A_268 : vector<16xi32>
        %parallel_loop3A_270 = arith.constant 16 : i32
        %parallel_loop3A_271 = vector.broadcast %parallel_loop3A_270 : i32 to vector<16xi32>
        %parallel_loop3A_272 = arith.addi %parallel_loop3A_266, %parallel_loop3A_271 : vector<16xi32>
        %parallel_loop3A_273 = arith.select %parallel_loop3A_269, %parallel_loop3A_272, %parallel_loop3A_266 : vector<16xi1>, vector<16xi32>
        %parallel_loop3A_274 = vector.shape_cast %parallel_loop3A_273 : vector<16xi32> to vector<16x1xi32>
        %parallel_loop3A_275 = vector.shape_cast %parallel_loop3A_274 : vector<16x1xi32> to vector<16xi32>
        %parallel_loop3A_276 = tpu.dynamic_gather %parallel_loop3A_207[%parallel_loop3A_275] in [0] : vector<16xf32>, vector<16xi32> -> vector<16xf32>
        %parallel_loop3A_277 = arith.addf %parallel_loop3A_207, %parallel_loop3A_276 : vector<16xf32>
        %parallel_loop3A_278 = arith.constant 4 : i32
        %parallel_loop3A_279 = vector.broadcast %parallel_loop3A_278 : i32 to vector<16xi32>
        %parallel_loop3A_280 = arith.xori %iota3A, %parallel_loop3A_279 : vector<16xi32>
        %parallel_loop3A_281 = arith.constant 0 : i32
        %parallel_loop3A_282 = vector.broadcast %parallel_loop3A_281 : i32 to vector<16xi32>
        %parallel_loop3A_283 = arith.cmpi slt, %parallel_loop3A_280, %parallel_loop3A_282 : vector<16xi32>
        %parallel_loop3A_284 = arith.constant 16 : i32
        %parallel_loop3A_285 = vector.broadcast %parallel_loop3A_284 : i32 to vector<16xi32>
        %parallel_loop3A_286 = arith.addi %parallel_loop3A_280, %parallel_loop3A_285 : vector<16xi32>
        %parallel_loop3A_287 = arith.select %parallel_loop3A_283, %parallel_loop3A_286, %parallel_loop3A_280 : vector<16xi1>, vector<16xi32>
        %parallel_loop3A_288 = vector.shape_cast %parallel_loop3A_287 : vector<16xi32> to vector<16x1xi32>
        %parallel_loop3A_289 = vector.shape_cast %parallel_loop3A_288 : vector<16x1xi32> to vector<16xi32>
        %parallel_loop3A_290 = tpu.dynamic_gather %parallel_loop3A_277[%parallel_loop3A_289] in [0] : vector<16xf32>, vector<16xi32> -> vector<16xf32>
        %parallel_loop3A_291 = arith.addf %parallel_loop3A_277, %parallel_loop3A_290 : vector<16xf32>
        %parallel_loop3A_292 = arith.constant 2 : i32
        %parallel_loop3A_293 = vector.broadcast %parallel_loop3A_292 : i32 to vector<16xi32>
        %parallel_loop3A_294 = arith.xori %iota3A, %parallel_loop3A_293 : vector<16xi32>
        %parallel_loop3A_295 = arith.constant 0 : i32
        %parallel_loop3A_296 = vector.broadcast %parallel_loop3A_295 : i32 to vector<16xi32>
        %parallel_loop3A_297 = arith.cmpi slt, %parallel_loop3A_294, %parallel_loop3A_296 : vector<16xi32>
        %parallel_loop3A_298 = arith.constant 16 : i32
        %parallel_loop3A_299 = vector.broadcast %parallel_loop3A_298 : i32 to vector<16xi32>
        %parallel_loop3A_300 = arith.addi %parallel_loop3A_294, %parallel_loop3A_299 : vector<16xi32>
        %parallel_loop3A_301 = arith.select %parallel_loop3A_297, %parallel_loop3A_300, %parallel_loop3A_294 : vector<16xi1>, vector<16xi32>
        %parallel_loop3A_302 = vector.shape_cast %parallel_loop3A_301 : vector<16xi32> to vector<16x1xi32>
        %parallel_loop3A_303 = vector.shape_cast %parallel_loop3A_302 : vector<16x1xi32> to vector<16xi32>
        %parallel_loop3A_304 = tpu.dynamic_gather %parallel_loop3A_291[%parallel_loop3A_303] in [0] : vector<16xf32>, vector<16xi32> -> vector<16xf32>
        %parallel_loop3A_305 = arith.addf %parallel_loop3A_291, %parallel_loop3A_304 : vector<16xf32>
        %parallel_loop3A_306 = arith.constant 1 : i32
        %parallel_loop3A_307 = vector.broadcast %parallel_loop3A_306 : i32 to vector<16xi32>
        %parallel_loop3A_308 = arith.xori %iota3A, %parallel_loop3A_307 : vector<16xi32>
        %parallel_loop3A_309 = arith.constant 0 : i32
        %parallel_loop3A_310 = vector.broadcast %parallel_loop3A_309 : i32 to vector<16xi32>
        %parallel_loop3A_311 = arith.cmpi slt, %parallel_loop3A_308, %parallel_loop3A_310 : vector<16xi32>
        %parallel_loop3A_312 = arith.constant 16 : i32
        %parallel_loop3A_313 = vector.broadcast %parallel_loop3A_312 : i32 to vector<16xi32>
        %parallel_loop3A_314 = arith.addi %parallel_loop3A_308, %parallel_loop3A_313 : vector<16xi32>
        %parallel_loop3A_315 = arith.select %parallel_loop3A_311, %parallel_loop3A_314, %parallel_loop3A_308 : vector<16xi1>, vector<16xi32>
        %parallel_loop3A_316 = vector.shape_cast %parallel_loop3A_315 : vector<16xi32> to vector<16x1xi32>
        %parallel_loop3A_317 = vector.shape_cast %parallel_loop3A_316 : vector<16x1xi32> to vector<16xi32>
        %parallel_loop3A_318 = tpu.dynamic_gather %parallel_loop3A_305[%parallel_loop3A_317] in [0] : vector<16xf32>, vector<16xi32> -> vector<16xf32>
        %parallel_loop3A_319 = arith.addf %parallel_loop3A_305, %parallel_loop3A_318 : vector<16xf32>
        %parallel_loop3A_320 = arith.addf %parallel_loop3A_138, %parallel_loop3A_319 : vector<16xf32>
        %parallel_loop3A_321 = arith.constant 2.000000e+00 : f32
        %parallel_loop3A_322 = vector.broadcast %parallel_loop3A_321 : f32 to vector<16xf32>
        %parallel_loop3A_323 = arith.mulf %parallel_loop3A_322, %parallel_loop3A_263 : vector<16xf32>
        %parallel_loop3A_324 = arith.subf %parallel_loop3A_320, %parallel_loop3A_323 : vector<16xf32>
        %parallel_loop3A_325 = arith.constant 2.000000e+00 : f32
        %parallel_loop3A_326 = vector.broadcast %parallel_loop3A_325 : f32 to vector<16xf32>
        %parallel_loop3A_327 = arith.mulf %parallel_loop3A_326, %parallel_loop3A_324 : vector<16xf32>
        %parallel_loop3A_328 = arith.constant 1.000000e+00 : f32
        %parallel_loop3A_329 = vector.broadcast %parallel_loop3A_328 : f32 to vector<16xf32>
        %parallel_loop3A_330 = arith.subf %parallel_loop3A_329, %parallel_loop3A_138 : vector<16xf32>
        %parallel_loop3A_331 = arith.constant 1.000000e+00 : f32
        %parallel_loop3A_332 = vector.broadcast %parallel_loop3A_331 : f32 to vector<16xf32>
        %parallel_loop3A_333 = arith.subf %parallel_loop3A_332, %parallel_loop3A_319 : vector<16xf32>
        %parallel_loop3A_334 = arith.mulf %parallel_loop3A_330, %parallel_loop3A_333 : vector<16xf32>
        %parallel_loop3A_335 = arith.divf %parallel_loop3A_327, %parallel_loop3A_334 : vector<16xf32>
        %parallel_loop3A_336 = arith.constant 1.000000e+00 : f32
        %parallel_loop3A_337 = vector.broadcast %parallel_loop3A_336 : f32 to vector<16xf32>
        %parallel_loop3A_338 = arith.addf %parallel_loop3A_337, %parallel_loop3A_335 : vector<16xf32>
        %parallel_loop3A_339 = arith.constant 1.000000e-07 : f32
        %parallel_loop3A_340 = vector.broadcast %parallel_loop3A_339 : f32 to vector<16xf32>
        %parallel_loop3A_341 = arith.addf %parallel_loop3A_338, %parallel_loop3A_340 : vector<16xf32>
        %parallel_loop3A_342 = arith.constant 0 : i32
        %parallel_loop3A_343 = vector.broadcast %parallel_loop3A_342 : i32 to vector<16xi32>
        %parallel_loop3A_344 = arith.muli %iota3A, %parallel_loop3A_343 : vector<16xi32>
        %parallel_loop3A_345 = arith.constant 48 : i32
        %parallel_loop3A_346 = vector.broadcast %parallel_loop3A_345 : i32 to vector<16xi32>
        %parallel_loop3A_347 = arith.addi %parallel_loop3A_344, %parallel_loop3A_346 : vector<16xi32>
        %parallel_loop3A_348 = arith.constant 0 : i32
        %parallel_loop3A_349 = vector.broadcast %parallel_loop3A_348 : i32 to vector<16xi32>
        %parallel_loop3A_350 = arith.cmpi eq, %iota3A, %parallel_loop3A_349 : vector<16xi32>
        tpu.vector_store_idx %arg7[%parallel_loop3A_143, %parallel_loop3A_347], %parallel_loop3A_341 masked %parallel_loop3A_350 : memref<128x49xf32, #tpu.memory_space<vmem>>[vector<16xi32>, vector<16xi32>], vector<16xf32>, vector<16xi1>
      } {sc.loop_unroll_factor = 1 : i64, sc.parallel_access}
    }
    %scan3A_11 = arith.constant 64 : i32
    %mul3A_12 = arith.constant 128 : i32
    %mul3A_13 = arith.muli %add3A, %mul3A_12 : i32
    "tpu.region"() ({
      %run_scoped3A = tpu.sem_alloc : memref<!tpu.dma_semaphore, #tpu.memory_space<semaphore_mem>>
      %dma_start3A = arith.constant 0 : i32
      %dma_start3A_14 = tpu.memref_slice %arg4[%mul3A_13, %dma_start3A] : memref<4096x49xf32, #tpu.memory_space<hbm>> -> memref<128x49xf32, #tpu.memory_space<hbm>>
      %dma_start3A_15 = arith.constant 0 : i32
      %dma_start3A_16 = tpu.memref_slice %arg4[%mul3A_13, %dma_start3A_15] : memref<4096x49xf32, #tpu.memory_space<hbm>> -> memref<128x49xf32, #tpu.memory_space<hbm>>
      tpu.enqueue_dma source(%arg7 : memref<128x49xf32, #tpu.memory_space<vmem>>) target(%dma_start3A_16 : memref<128x49xf32, #tpu.memory_space<hbm>>) target_semaphore(%run_scoped3A : memref<!tpu.dma_semaphore, #tpu.memory_space<semaphore_mem>>)
      %dma_wait3A = arith.constant 0 : i32
      %dma_wait3A_17 = tpu.memref_slice %arg4[%mul3A_13, %dma_wait3A] : memref<4096x49xf32, #tpu.memory_space<hbm>> -> memref<128x49xf32, #tpu.memory_space<hbm>>
      %dma_wait3A_18 = arith.constant 0 : i32
      %dma_wait3A_19 = tpu.memref_slice %arg4[%mul3A_13, %dma_wait3A_18] : memref<4096x49xf32, #tpu.memory_space<hbm>> -> memref<128x49xf32, #tpu.memory_space<hbm>>
      tpu.wait_dma2 semaphore(%run_scoped3A : memref<!tpu.dma_semaphore, #tpu.memory_space<semaphore_mem>>) src(%arg7 : memref<128x49xf32, #tpu.memory_space<vmem>>) dst(%dma_wait3A_19 : memref<128x49xf32, #tpu.memory_space<hbm>>)
      tpu.yield
    }) : () -> ()
    return
  }
}

module attributes {stable_mosaic.version = 14 : i64} {
  func.func @_acosh_body(%arg0: memref<4096x49xf32, #tpu.memory_space<vmem>>, %arg1: memref<4096x49xf32, #tpu.memory_space<vmem>>) attributes {dimension_semantics = [], scalar_prefetch = 0 : i64, scratch_operands = 0 : i64, tpu.core_type = #tpu.core_type<tc>} {
    %get3A = arith.constant 0 : index
    %get3A_0 = arith.constant 0 : index
    %get3A_1 = vector.load %arg0[%get3A, %get3A_0] : memref<4096x49xf32, #tpu.memory_space<vmem>>, vector<4096x49xf32>
    %mul3A = arith.mulf %get3A_1, %get3A_1 : vector<4096x49xf32>
    %sub3A = arith.constant 1.000000e+00 : f32
    %sub3A_2 = vector.broadcast %sub3A : f32 to vector<4096x49xf32>
    %sub3A_3 = arith.subf %mul3A, %sub3A_2 : vector<4096x49xf32>
    %sqrt3A = math.sqrt %sub3A_3 : vector<4096x49xf32>
    %add3A = arith.addf %get3A_1, %sqrt3A : vector<4096x49xf32>
    %log3A = math.log %add3A : vector<4096x49xf32>
    %swap3A = arith.constant 0 : index
    %swap3A_4 = arith.constant 0 : index
    %swap3A_5 = vector.load %arg1[%swap3A, %swap3A_4] : memref<4096x49xf32, #tpu.memory_space<vmem>>, vector<4096x49xf32>
    tpu.vector_store %arg1[%swap3A, %swap3A_4], %log3A {strides = array<i32>} : memref<4096x49xf32, #tpu.memory_space<vmem>>, vector<4096x49xf32>,
    return
  }
}

</mosaic_0001>

<sc_bundles>
// kernel: kernel.4.cloned.1.call-start
scs
__scs_entry_jumppad:
0x0: {  	(pc) =	sbr.rel $0x88, $3  }
0x1: {  	(tag) =	ssettag $0x0;
	lr =	simm.s32 $0x1  }
0x2: {  	[smem:$0x3F9F] =	sst lr;
	_ =	strace $0xD0000000  }
0x3: {  	_ = 	snop  }
0x4: {  	_ = 	snop  }
0x5: {  	_ = 	snop  }
0x6: {  	_ = 	snop  }
0x7: {  	_ = 	snop  }
__scs_overlays_trampoline_lowered:
0x8: {  	[smem:$0x3FAE] =	sst s0  }
0x9: {  	[smem:$0x3FAF] =	sst s1  }
0xa: {  	[smem:$0x3FB0] =	sst s2  }
0xb: {  	[smem:$0x3FB1] =	sst s3  }
0xc: {  	[smem:$0x3FB2] =	sst s4  }
0xd: {  	[smem:$0x3FB3] =	sst s5  }
0xe: {  	[smem:$0x3FB4] =	sst s6  }
0xf: {  	[smem:$0x3FB5] =	sst s7  }
0x10: {  	[smem:$0x3FB6] =	sst s8  }
0x11: {  	[smem:$0x3FB7] =	sst s9;
	s0 =	simm.s32 @!p0 $0x0  }
0x12: {  	s1 =	sld [smem:$0x3F9D];
	s0 =	simm.s32 @p0 $0x1  }
0x13: {  	[smem:$0x3FB8] =	sst s0;
	s0 =	simm.s32 @!p1 $0x0  }
0x14: {  	s2 =	sld [smem:$0x3F9C];
	s0 =	simm.s32 @p1 $0x1  }
0x15: {  	[smem:$0x3FB9] =	sst s0;
	s0 =	simm.s32 @!p2 $0x0  }
0x16: {  	s3 =	sld [smem:$0x3FDB];
	s0 =	simm.s32 @p2 $0x1  }
0x17: {  	s4 =	simm.s32 $0x1BF5;
	[smem:$0x3FBB] =	sst s0  }
0x18: {  	s0 =	sld [smem:$0x3F9E];
	_ =	swait.ge [sflag:s4], $0x0  }
0x19: {  	s7 =	sld [smem:$0x3F9F]  }
0x1a: {  	s8 =	sadd.s32 $0xFFFFE003, lr  }
0x1b: {  	s9 =	sadd.s32 $0xFFFFFEF7, lr;
	s5 =	simm.s32 $0xFFFFFFFF;
	p2 =	slt.u32 s8, $0xFFFFF086  }
0x1c: {  	p1 =	slt.u32 s9, $0xF7A;
	s5 =	simm.s32 @!p2 $0x0  }
0x1d: {  	s5 =	simm.s32 @p1 $0x1;
	p0 =	seq.s32 s7, s2  }
0x1e: {  	s7 =	smul.u32 @!p0 $0xF7A, s2;
	p2 =	seq.s32 @!p0 s5, $0x0  }
0x1f: {  	s9 =	smul.u32 $0xF7A, s1;
	s8 =	simm.s32 @!p0 $0x1BF5;
	p2 =	por !p2, p0  }
0x20: {  	[sflag:s8] =	ssyncset.s32 @!p0 $0xFFFFF086;
	s6 =	sadd.s32 @!p0 s3, s7;
	s7 =	simm.s32 @!p0 $0x108  }
0x21: {  	s3 =	sadd.s32 s3, s9;
	s6 =	sadd.s32 @!p0 $0x88, s6;
	s7 =	simm.s32 @p2 $0x1082  }
0x22: {  	[simem:s7], [sflag:s8] =	dma.local @!p0 [hbm:s6], $0xF7A  }
0x23: {  	s9 =	sor.u32 $0xD0000000, s2;
	s6 =	simm.s32 $0x108;
	_ =	swait.ge @!p0 [sflag:s8], $0x0  }
0x24: {  	s3 =	sadd.s32 $0x88, s3;
	s6 =	simm.s32 @!p1 $0x1082;
	[sflag:s4] =	ssyncset.s32 $0xFFFFF086  }
0x25: {  	[simem:s6], [sflag:s4] =	dma.local [hbm:s3], $0xF7A  }
0x26: {  	[smem:$0x3F9F] =	sst s1;
	(tag) =	ssettag s2;
	_ =	strace s9  }
0x27: {  	s1 =	sld [smem:$0x3FAF]  }
0x28: {  	s2 =	sld [smem:$0x3FB0]  }
0x29: {  	s4 =	sld [smem:$0x3FB2]  }
0x2a: {  	p0 =	seq.s32 s5, $0x0;
	s5 =	sld [smem:$0x3FB3]  }
0x2b: {  	s6 =	sld [smem:$0x3FB4]  }
0x2c: {  	s7 =	sld [smem:$0x3FB5]  }
0x2d: {  	s3 =	simm.s32 $0x108;
	s8 =	sld [smem:$0x3FB6]  }
0x2e: {  	s3 =	simm.s32 @!p0 $0x1082;
	s9 =	sld [smem:$0x3FB7]  }
0x2f: {  	lr =	sadd.s32 s0, s3;
	s0 =	sld [smem:$0x3FAE]  }
0x30: {  	s3 =	sld [smem:$0x3FB1]  }
0x31: {  	[smem:$0x3FBA] =	sst s10  }
0x32: {  	s10 =	sld [smem:$0x3FB8];
	_ =	sdelay $0x3  }
0x33: {  	p0 =	seq.s32 s10, $0x1;
	s10 =	sld [smem:$0x3FBA];
	_ =	sdelay $0x3  }
0x34: {  	[smem:$0x3FBA] =	sst s10  }
0x35: {  	s10 =	sld [smem:$0x3FB9];
	_ =	sdelay $0x3  }
0x36: {  	p1 =	seq.s32 s10, $0x1;
	s10 =	sld [smem:$0x3FBA];
	_ =	sdelay $0x3  }
0x37: {  	[smem:$0x3FBA] =	sst s10  }
0x38: {  	s10 =	sld [smem:$0x3FBB]  }
0x39: {  	_ = 	snop;
	(pc) =	sbr.ind lr, $3  }
0x3a: {  	_ = 	snop  }
0x3b: {  	_ = 	snop  }
0x3c: {  	p2 =	seq.s32 s10, $0x1;
	s10 =	sld [smem:$0x3FBA]  }
0x3d: {  	_ =	shalt  }
0x3e: {  	_ =	shalt  }
0x3f: {  	_ =	shalt  }
0x40: {  	_ =	shalt  }
0x41: {  	_ =	shalt  }
0x42: {  	_ =	shalt  }
0x43: {  	_ =	shalt  }
0x44: {  	_ =	shalt  }
0x45: {  	_ =	shalt  }
0x46: {  	_ =	shalt  }
0x47: {  	_ =	shalt  }
0x48: {  	_ =	shalt  }
0x49: {  	_ =	shalt  }
0x4a: {  	_ =	shalt  }
0x4b: {  	_ =	shalt  }
0x4c: {  	_ =	shalt  }
0x4d: {  	_ =	shalt  }
0x4e: {  	_ =	shalt  }
0x4f: {  	_ =	shalt  }
0x50: {  	_ =	shalt  }
0x51: {  	_ =	shalt  }
0x52: {  	_ =	shalt  }
0x53: {  	_ =	shalt  }
0x54: {  	_ =	shalt  }
0x55: {  	_ =	shalt  }
0x56: {  	_ =	shalt  }
0x57: {  	_ =	shalt  }
0x58: {  	_ =	shalt  }
0x59: {  	_ =	shalt  }
0x5a: {  	_ =	shalt  }
0x5b: {  	_ =	shalt  }
0x5c: {  	_ =	shalt  }
0x5d: {  	_ =	shalt  }
0x5e: {  	_ =	shalt  }
0x5f: {  	_ =	shalt  }
0x60: {  	_ =	shalt  }
0x61: {  	_ =	shalt  }
0x62: {  	_ =	shalt  }
0x63: {  	_ =	shalt  }
0x64: {  	_ =	shalt  }
0x65: {  	_ =	shalt  }
0x66: {  	_ =	shalt  }
0x67: {  	_ =	shalt  }
0x68: {  	_ =	shalt  }
0x69: {  	_ =	shalt  }
0x6a: {  	_ =	shalt  }
0x6b: {  	_ =	shalt  }
0x6c: {  	_ =	shalt  }
0x6d: {  	_ =	shalt  }
0x6e: {  	_ =	shalt  }
0x6f: {  	_ =	shalt  }
0x70: {  	_ =	shalt  }
0x71: {  	_ =	shalt  }
0x72: {  	_ =	shalt  }
0x73: {  	_ =	shalt  }
0x74: {  	_ =	shalt  }
0x75: {  	_ =	shalt  }
0x76: {  	_ =	shalt  }
0x77: {  	_ =	shalt  }
0x78: {  	_ =	shalt  }
0x79: {  	_ =	shalt  }
0x7a: {  	_ =	shalt  }
0x7b: {  	_ =	shalt  }
0x7c: {  	_ =	shalt  }
0x7d: {  	_ =	shalt  }
0x7e: {  	_ =	shalt  }
0x7f: {  	_ =	shalt  }
0x80: {  	_ =	shalt  }
0x81: {  	_ =	shalt  }
0x82: {  	_ =	shalt  }
0x83: {  	_ =	shalt  }
0x84: {  	_ =	shalt  }
0x85: {  	_ =	shalt  }
0x86: {  	_ =	shalt  }
0x87: {  	_ =	shalt  }
.Lfunc_end0:
.L_simem_size_0:
called_computation_lowered:
.L_overlay_start_0:
0x88: {  	s2 =	sld [smem:$0x3FD9]  }
0x89: {  	s3 =	sld [smem:$0x3FFE];
	_ =	sdelay $0x1  }
0x8a: {  	s1 =	srdreg.scid  }
0x8b: {  	s0 =	sand.u32 $0x1, s1  }
0x8c: {  	s17 =	sshll.u32 s0, $0xA;
	s2 =	sadd.s32 s3, s2  }
0x8d: {  	s2 =	sadd.s32 s2, s17  }
0x8e: {  	[smem:$0x3FC6] =	sst s2  }
0x8f: {  	_ = 	snop  }
0x90: {  	s2 =	sld [smem:$0x3FC8];
	(tm) =	ssettm $0x1  }
0x91: {  	s18 =	sld [smem:$0x3FFB];
	_ =	sdelay $0x3  }
0x92: {  	_ =	strace s18  }
0x93: {  	s3 =	sld [smem:$0x3FFC];
	_ =	sdelay $0x3  }
0x94: {  	_ =	strace s3  }
0x95: {  	s3 =	sld [smem:$0x3FFD];
	_ =	sdelay $0x3  }
0x96: {  	_ =	strace s3  }
0x97: {  	_ =	strace $0x8FFFFFFF  }
0x98: {  	s19 =	sld [smem:$0x3FDB];
	_ =	sdelay $0x1  }
0x99: {  	s4 =	simm.s32 $_scs_section_size  }
0x9a: {  	s5 =	simm.s32 $_size__tile_overlayer_lowered;
	s6 =	simm.s32 $_tile_overlayer_lowered  }
0x9b: {  	s22 =	simm.s32 $0x1BFF;
	s21 =	sshll.u32 s6, $0x1;
	s3 =	sadd.s32 s4, s19  }
0x9c: {  	s7 =	simm.s32 $0x0;
	s20 =	sshll.u32 s5, $0x1;
	s5 =	sadd.s32 s21, s3  }
0x9d: {  	[timem:s7], [sflag:s22] =	dma.local [hbm:s5], s20  }
0x9e: {  	_ =	swait.ge [sflag:s22], s20  }
0x9f: {  	s4 =	ssub.s32 $0x0, s20;
	[sflag:s22] =	ssyncset.done $0x0  }
0xa0: {  	[sflag:s22] =	ssyncadd.s32 s4;
	_ =	sdelay $0x1  }
0xa1: {  	s23 =	simm.s32 $0x1B8B  }
0xa2: {  	_ =	swait.ge [sflag:s23], $0x1  }
0xa3: {  	[sflag:s23] =	ssyncset.done $0x0  }
0xa4: {  	s25 =	simm.s32 $0x1B8E;
	s24 =	sld [smem:$0x3FFE];
	[sflag:s23] =	ssyncadd.s32 $0xFFFFFFFF  }
0xa5: {  	s26 =	simm.s32 $execute0_lowered;
	[smem:$0x3FD2] =	sst s25  }
0xa6: {  	s5 =	sshll.u32 s26, $0x1;
	_ =	strace $0x80000046;
	[dreg:$0x1] =	wrdreg $0xFFFFFFFF  }
0xa7: {  	s28 =	simm.s32 $_size_execute0_lowered;
	s3 =	sadd.s32 s3, s5;
	[dreg:$0x0] =	wrdreg $0x0  }
0xa8: {  	s5 =	sshll.u32 s28, $0x1;
	[dreg:$0x2] =	wrdreg s3  }
0xa9: {  	[dreg:$0x3] =	wrdreg s5  }
0xaa: {  	[dreg:$0x4] =	wrdreg $0xC0  }
0xab: {  	_ =	task [dreg:s7], $0x5FFFF  }
0xac: {  	[dreg:$0x1] =	wrdreg $0xFFFFFFFF  }
0xad: {  	[dreg:$0x0] =	wrdreg $0x60  }
0xae: {  	[dreg:$0x2] =	wrdreg s24  }
0xaf: {  	[dreg:$0x3] =	wrdreg s2  }
0xb0: {  	[dreg:$0x4] =	wrdreg $0x9  }
0xb1: {  	_ =	task.clear_ibuf [dreg:s7], $0x5FFFF;
	_ =	strace $0x90000046  }
0xb2: {  	s29 =	simm.s32 $0x9;
	_ =	strace $0x80000048  }
0xb3: {  	_ =	swait.ge [sflag:s29], $0x1  }
0xb4: {  	[sflag:s29] =	ssyncadd.s32 $0xFFFFFFFF  }
0xb5: {  	_ =	strace $0x90000048  }
0xb6: {  	_ =	sfence  }
0xb7: {  	s30 =	sld [smem:$0x0];
	_ =	sdelay $0x2  }
0xb8: {  	s31 =	sshll.u32 s1, $0xD;
	s1 =	sshrl.u32 s1, $0x2  }
0xb9: {  	s3 =	sand.u32 $0x4000, s31;
	s1 =	sadd.s32 s1, s30  }
0xba: {  	s0 =	sor.u32 s3, s0;
	s1 =	sshll.u32 s1, $0x11  }
0xbb: {  	s0 =	sor.u32 s1, s0  }
0xbc: {  	s0 =	sadd.s32 $0x8F2B, s0  }
0xbd: {  	[sflag:s0] =	ssyncadd.remote.s32 $0x1  }
0xbe: {  	_ =	sfence.sel $0xFFFF  }
0xbf: {  	[dreg:$0x0] =	wrdreg $0xFFFFFFFF;
	(pc) =	sbr.abs _section_cstart, $3  }
0xc0: {  	[dreg:$0x1] =	wrdreg $0xFFFFFFFF  }
0xc1: {  	_ =	task.clear_ibuf [dreg:s7], $0x2FFFF;
	_ =	strace $0x9FFFFFFF  }
0xc2: {  	(tm) =	ssettm $0x7FFFFFFF  }
0xc3: {  	_ =	shalt  }
tec
execute0_lowered:
.L_overlay_start_1:
0x0: {  	(tag) =	ssettag $0x1  }
0x1: {  	v0 =	vimm.s32 $0xFEDCBA98  }
0x2: {  	v1 =	vimm.s32 $0x76543210;
	v2 =	vimm.s32 $0xBA98FEDC;
	v0 =	vunpack.c.l.s4.s8 v0  }
0x3: {  	v4 =	vimm.s32 $0x54761032;
	v5 =	vimm.s32 $0xEFCDAB89;
	v1 =	vunpack.c.l.s4.s8 v1  }
0x4: {  	v6 =	vimm.s32 $0x67452301;
	v2 =	vunpack.c.l.s4.s8 v2;
	v0 =	vunpack.c.0.s8.s32 v0  }
0x5: {  	v4 =	vunpack.c.l.s4.s8 v4;
	v5 =	vunpack.c.l.s4.s8 v5;
	v1 =	vunpack.c.0.s8.s32 v1  }
0x6: {  	s4 =	rddreg [dreg:$0x0];
	v6 =	vunpack.c.l.s4.s8 v6;
	v3 =	vunpack.c.0.s8.s32 v2;
	v0 =	vand.u32 $0xF, v0  }
0x7: {  	s1 =	rddreg [dreg:$0x1];
	s3 =	simm.s32 $0x0;
	s5 =	srdreg.scid;
	v2 =	vimm.s32 $0xDCFE98BA;
	v0 =	vcombine.low v0, v1;
	v1 =	vimm.s32 $0x32107654  }
0x8: {  	s0 =	stileid.u32;
	s9 =	simm.s32 $0x2000;
	s10 =	simm.s32 $0x80;
	v2 =	vunpack.c.l.s4.s8 v2;
	v1 =	vunpack.c.l.s4.s8 v1  }
0x9: {  	s11 =	simm.s32 $0x5200;
	s12 =	simm.s32 $0x100;
	s13 =	simm.s32 $0x8400;
	v4 =	vunpack.c.0.s8.s32 v4;
	v5 =	vunpack.c.0.s8.s32 v5;
	v6 =	vunpack.c.0.s8.s32 v6  }
0xa: {  	s14 =	simm.s32 $0x12800;
	s15 =	simm.s32 $0x12E80;
	s16 =	simm.s32 $0xE800;
	v8 =	vunpack.c.0.s8.s32 v2;
	v7 =	vunpack.c.0.s8.s32 v1;
	v1 =	vlaneseq.u32  }
0xb: {  	[smem:$0x7FF] =	sst s3;
	s5 =	sand.u32 $0x1, s5;
	s6 =	sshll.u32 s0, $0x1;
	v2 =	vmul.u32 $0x11, v1  }
0xc: {  	s17 =	simm.s32 $0x0;
	_ =	strace $0x80000047;
	s6 =	sor.u32 s5, s6;
	v5 =	vcombine.low v6, v5;
	v4 =	vcombine.low v4, v8  }
0xd: {  	s5 =	ssub.s32 $0x2, s5;
	s7 =	sshll.u32 s6, $0xA;
	s6 =	sshll.u32 s6, $0xB;
	v3 =	vcombine.low v7, v3;
	v6 =	vadd.s32 $0x1, v2;
	v7 =	vadd.s32 $0x2, v2  }
0xe: {  	s31 =	sshrl.u32 s5, $0x1;
	s7 =	sadd.s32 s7, s4;
	s6 =	sadd.s32 s6, s4;
	v8 =	vadd.s32 $0x3, v2;
	v9 =	vadd.s32 $0x4, v2;
	v10 =	vadd.s32 $0x5, v2  }
0xf: {  	s8 =	ssub.s32 s5, s31;
	s4 =	sadd.s32 $0x600, s7;
	s5 =	sadd.s32 $0x8600, s6;
	v11 =	vadd.s32 $0x6, v2;
	v12 =	vadd.s32 $0x7, v2;
	v13 =	vadd.s32 $0x8, v2  }
0x10: {  	s6 =	smax.u32 s8, $0x1;
	s7 =	simm.s32 $0x5;
	s8 =	simm.s32 $0x64;
	v14 =	vadd.s32 $0x9, v2;
	v15 =	vadd.s32 $0xA, v2;
	v16 =	vadd.s32 $0xB, v2  }
.LBB2_1:
0x11: {  	[tilespmem:s3], [sflag:$0x5] =	stream.linear.gather [hbm4b:s4+s3], $0x2000, $0x38;
	[tilespmem:$0x13500] =	vst v63  }
0x12: {  	_ =	swait.ge [sflag:s7], $0x2000  }
0x13: {  	[sflag:s7] =	ssyncset.done $0x0  }
0x14: {  	[sflag:s7] =	ssyncadd.s32 $0xFFFFE000  }
0x15: {  	[tilespmem:s9], [sflag:$0x1] =	stream.indirect.gather [hbm4b:s1+s8], $0x80, s3, s8, $0xb8;
	[tilespmem:$0x13500] =	vst v63  }
0x16: {  	_ = 	snop  }
0x17: {  	[tilespmem:s11], [sflag:$0x2] =	stream.indirect.gather [hbm4b:s1+s8], $0x80, s10, s8, $0xb8;
	[tilespmem:$0x13500] =	vst v63  }
0x18: {  	s18 =	simm.s32 $0x0;
	s19 =	simm.s32 $0x0  }
0x19: {  	[tilespmem:s13], [sflag:$0x3] =	stream.indirect.gather [hbm4b:s1+s8], $0x80, s12, s8, $0xb8;
	[tilespmem:$0x13500] =	vst v63  }
.LBB2_2:
0x1a: {  	p0 =	sgt.u32 s19, $0x3C  }
0x1b: {  	s21 =	sand.u32 $0x3, s19;
	s20 =	sadd.s32 @!p0 $0x3, s19  }
0x1c: {  	s25 =	sand.u32 $0x3, s18;
	s23 =	sadd.s32 $0x1, s21;
	s22 =	sand.u32 @!p0 $0x3, s20  }
0x1d: {  	p1 =	por $0x1, $0x1;
	_ =	swait.ge [sflag:s23], $0x3200;
	s24 =	smul.u32 @!p0 $0xC800, s22  }
0x1e: {  	s25 =	smul.u32 $0xC800, s25;
	s20 =	sshll.u32 @!p0 s20, $0x7;
	[sflag:s23] =	ssyncset.done $0x0  }
0x1f: {  	s20 =	sand.u32 @!p0 $0x3FFFFF80, s20;
	s22 =	sadd.s32 @!p0 $0x1, s22;
	s24 =	sshrl.u32 @!p0 s24, $0x2  }
0x20: {  	[sflag:s23] =	ssyncadd.s32 $0xFFFFCE00;
	s23 =	sadd.s32 @!p0 $0x2000, s24;
	s24 =	simm.s32 @!p0 $0x64  }
0x21: {  	[tilespmem:s23], [sflag:s22] =	stream.indirect.gather @!p0 [hbm4b:s1+s24], $0x80, s20, s24, $0xb8;
	[tilespmem:$0x13500] =	vst v63  }
0x22: {  	s26 =	simm.s32 $0x0;
	s31 =	sshrl.u32 s25, $0x2;
	s20 =	smul.u32 $0x64, s21  }
0x23: {  	s21 =	sshll.u32 s19, $0x1;
	s22 =	sadd.s32 $0x2140, s31;
	s23 =	simm.s32 $0x0  }
.LBB2_3:
0x24: {  	s24 =	smul.u32 $0x32, s26  }
0x25: {  	s28 =	smul.u32 $0x6400, s26;
	_ =	sdelay $0x1  }
0x26: {  	s24 =	sadd.s32 s20, s24;
	s28 =	sshra.s32 s28, $0x2  }
0x27: {  	s24 =	sshll.u32 s24, $0x7;
	s29 =	sadd.s32 s28, s22  }
0x28: {  	s24 =	sand.u32 $0x3FFFFF80, s24;
	v28 =	vld [tilespmem:s29+$0xC0]  }
0x29: {  	v23 =	vld [tilespmem:s24+$0x2000]  }
0x2a: {  	v24 =	vld [tilespmem:s24+$0x2010]  }
0x2b: {  	v22 =	vld [tilespmem:s24+$0x2020]  }
0x2c: {  	v21 =	vld [tilespmem:s24+$0x2030]  }
0x2d: {  	v18 =	vld [tilespmem:s24+$0x2040]  }
0x2e: {  	v29 =	vld [tilespmem:s29+$0xD0]  }
0x2f: {  	v30 =	vld [tilespmem:s29+$0xFFFFFF50]  }
0x30: {  	v31 =	vld [tilespmem:s29+$0xE0];
	v17 =	vmul.f32 v23, v23  }
0x31: {  	v32 =	vld [tilespmem:s29+$0xFFFFFFC0];
	v19 =	vmul.f32 v24, v24;
	v20 =	vmul.f32 v22, v22  }
0x32: {  	v33 =	vld [tilespmem:s29+$0xF0];
	v25 =	vmul.f32 v21, v21;
	v26 =	vmul.f32 v18, v18  }
0x33: {  	v34 =	vld [tilespmem:s29+$0xFFFFFFD0];
	v35 =	vmul.f32 v28, v23;
	v36 =	vmul.f32 v29, v24  }
0x34: {  	v39 =	vld [tilespmem:s29+$0x40];
	v28 =	vmul.f32 v28, v28;
	v29 =	vmul.f32 v29, v29  }
0x35: {  	v42 =	vld [tilespmem:s29+$0xFFFFFF40];
	v38 =	vmul.f32 v30, v24;
	v50 =	vmul.f32 v31, v22  }
0x36: {  	s25 =	smul.u32 $0x330, s26;
	v41 =	vld [tilespmem:s29+$0x50];
	v30 =	vmul.f32 v30, v30;
	v40 =	vmul.f32 v32, v23  }
0x37: {  	v51 =	vmul.f32 v33, v21;
	v32 =	vmul.f32 v32, v32  }
0x38: {  	v27 =	vor.u32 s25, v1;
	s28 =	simm.s32 $0x33;
	v37 =	vld [tilespmem:s29+$0x100];
	v43 =	vmul.f32 v34, v24;
	v34 =	vmul.f32 v34, v34  }
0x39: {  	v57 =	vadd.s32 s28, v27;
	v47 =	vld [tilespmem:s29+$0xFFFFFFE0];
	v44 =	vmul.f32 v39, v23;
	v39 =	vmul.f32 v39, v39  }
0x3a: {  	v63 =	vld [tilespmem:s29+$0xFFFFFFF0];
	v46 =	vmul.f32 v42, v23;
	v42 =	vmul.f32 v42, v42;
	v17 =	vadd.f32 v19, v17  }
0x3b: {  	v49 =	vld [tilespmem:s29+$0x70];
	v45 =	vmul.f32 v41, v24;
	v35 =	vadd.f32 v36, v35;
	v28 =	vadd.f32 v29, v28  }
0x3c: {  	v59 =	vld [tilespmem:s29+$0x60];
	v41 =	vmul.f32 v41, v41;
	v38 =	vadd.f32 v38, v46;
	v60 =	vadd.f32 v30, v42  }
0x3d: {  	v53 =	vmul.f32 v37, v18;
	v19 =	vld [tilespmem:s24+$0x2050];
	v40 =	vadd.f32 v43, v40;
	v32 =	vadd.f32 v34, v32  }
0x3e: {  	v29 =	vmul.f32 v31, v31;
	v31 =	vld [tilespmem:s29+$0x110];
	v48 =	vadd.f32 v45, v44;
	v39 =	vadd.f32 v41, v39  }
0x3f: {  	v34 =	vmul.f32 v63, v63;
	v17 =	vadd.f32 v20, v17;
	v35 =	vadd.f32 v50, v35  }
0x40: {  	v52 =	vld [tilespmem:s29+$0x120];
	v41 =	vmul.f32 v49, v49;
	v28 =	vadd.f32 v29, v28;
	v29 =	vmul.f32 v33, v33  }
0x41: {  	v20 =	vld [tilespmem:s24+$0x2060];
	v50 =	vmul.f32 v47, v22;
	v25 =	vadd.f32 v25, v17;
	v35 =	vadd.f32 v51, v35  }
0x42: {  	v54 =	vld [tilespmem:s29+$0x130];
	v28 =	vadd.f32 v29, v28;
	v29 =	vmul.f32 v37, v37;
	v51 =	vmul.f32 v47, v47  }
0x43: {  	v62 =	vld [tilespmem:s29+$0xFFFFFF70];
	v37 =	vmul.f32 v59, v59;
	v55 =	vmul.f32 v31, v19;
	v25 =	vadd.f32 v26, v25  }
0x44: {  	v17 =	vld [tilespmem:s24+$0x2070];
	v26 =	vmul.f32 v19, v19;
	v35 =	vadd.f32 v53, v35;
	v28 =	vadd.f32 v29, v28  }
0x45: {  	v29 =	vmul.f32 v31, v31;
	v32 =	vadd.f32 v51, v32;
	v37 =	vadd.f32 v37, v39  }
0x46: {  	v56 =	vmul.f32 v52, v20;
	v25 =	vadd.f32 v26, v25;
	v26 =	vmul.f32 v20, v20  }
0x47: {  	v31 =	vld [tilespmem:s29+$0xFFFFFF60];
	v35 =	vadd.f32 v55, v35;
	v28 =	vadd.f32 v29, v28;
	v29 =	vmul.f32 v52, v52  }
0x48: {  	v53 =	vld [tilespmem:s29+$0xFFFFFF80];
	v52 =	vmul.f32 v59, v22;
	v59 =	vmul.f32 v62, v62;
	v32 =	vadd.f32 v34, v32  }
0x49: {  	v37 =	vadd.f32 v41, v37;
	v58 =	vmul.f32 v54, v17;
	v25 =	vadd.f32 v26, v25  }
0x4a: {  	v55 =	vld [tilespmem:s29+$0x0];
	v26 =	vmul.f32 v17, v17;
	v35 =	vadd.f32 v56, v35;
	v28 =	vadd.f32 v29, v28  }
0x4b: {  	v29 =	vmul.f32 v54, v54;
	v54 =	vadd.f32 v50, v40;
	v56 =	vmul.f32 v62, v21  }
0x4c: {  	v30 =	vmul.f32 v31, v22;
	v31 =	vmul.f32 v31, v31;
	v25 =	vadd.f32 v26, v25  }
0x4d: {  	s28 =	simm.s32 $0x11;
	v50 =	vmul.f32 v53, v53;
	v35 =	vadd.f32 v58, v35;
	v61 =	vadd.f32 v29, v28  }
0x4e: {  	s30 =	simm.s32 $0x22;
	v62 =	vld [tilespmem:s29+$0xFFFFFF90];
	v29 =	vadd.s32 s28, v27;
	v38 =	vadd.f32 v30, v38;
	v31 =	vadd.f32 v31, v60  }
0x4f: {  	v28 =	vadd.s32 s30, v27;
	v58 =	vld [tilespmem:s29+$0x80];
	v60 =	vmul.f32 v63, v21;
	v51 =	vmul.f32 v55, v18;
	[tilespmem:v57+s14+$0x0] =	vst.idx.msk $0xffff, v35  }
0x50: {  	v30 =	vadd.s32 s23, v27;
	v40 =	vmul.f32 v55, v55;
	v26 =	vperm.xlane v25, v0;
	[tilespmem:v57+s15+$0x0] =	vst.idx.msk $0xffff, v61  }
0x51: {  	v63 =	vld [tilespmem:s29+$0x10];
	v57 =	vadd.f32 v52, v48;
	v38 =	vadd.f32 v56, v38;
	v61 =	vmul.f32 v49, v21  }
0x52: {  	v31 =	vadd.f32 v59, v31;
	v36 =	vadd.f32 v60, v54;
	v48 =	vmul.f32 v53, v18  }
0x53: {  	v49 =	vld [tilespmem:s29+$0x90];
	v55 =	vmul.f32 v62, v19;
	v32 =	vadd.f32 v40, v32;
	v25 =	vadd.f32 v25, v26  }
0x54: {  	v33 =	vadd.f32 v61, v57;
	v38 =	vadd.f32 v48, v38;
	v52 =	vmul.f32 v58, v18  }
0x55: {  	v53 =	vld [tilespmem:s29+$0xFFFFFFA0];
	v31 =	vadd.f32 v50, v31;
	v35 =	vmul.f32 v58, v58;
	v57 =	vmul.f32 v62, v62  }
0x56: {  	v54 =	vld [tilespmem:s29+$0x20];
	v36 =	vadd.f32 v51, v36;
	v26 =	vperm.xlane v25, v3;
	v58 =	vmul.f32 v63, v19  }
0x57: {  	v59 =	vmul.f32 v63, v63;
	v33 =	vadd.f32 v52, v33;
	v35 =	vadd.f32 v35, v37  }
0x58: {  	v56 =	vld [tilespmem:s29+$0xA0];
	v38 =	vadd.f32 v55, v38;
	v25 =	vadd.f32 v25, v26;
	v60 =	vmul.f32 v49, v19  }
0x59: {  	v43 =	vadd.f32 v57, v31;
	v36 =	vadd.f32 v58, v36;
	v31 =	vmul.f32 v49, v49  }
0x5a: {  	v61 =	vmul.f32 v53, v20;
	v26 =	vperm.xlane v25, v4;
	v34 =	vadd.f32 v60, v33;
	v33 =	vld [tilespmem:s29+$0xFFFFFFB0]  }
0x5b: {  	v37 =	vadd.f32 v59, v32;
	v62 =	vmul.f32 v53, v53;
	v63 =	vmul.f32 v54, v20;
	v32 =	vld [tilespmem:s29+$0x30]  }
0x5c: {  	v41 =	vmul.f32 v54, v54;
	v35 =	vadd.f32 v31, v35;
	v31 =	vld [tilespmem:s29+$0xB0];
	v25 =	vadd.f32 v25, v26  }
0x5d: {  	p0 =	por p1, p1;
	v40 =	vmul.f32 v56, v20;
	v42 =	vmul.f32 v56, v56;
	v38 =	vadd.f32 v61, v38  }
0x5e: {  	s28 =	simm.s32 $0x0;
	s30 =	simm.s32 $0x0;
	v39 =	vadd.f32 v62, v43;
	v36 =	vadd.f32 v63, v36;
	s29 =	sadd.s32 $0x200, s29;
	v26 =	vperm.xlane v25, v5  }
.LBB2_4:
0x5f: {  	v43 =	vld [tilespmem:s29+$0xC0];
	v44 =	vmul.f32 v33, v17;
	v37 =	vadd.f32 v41, v37;
	v34 =	vadd.f32 v40, v34  }
0x60: {  	v33 =	vmul.f32 v33, v33;
	v41 =	vmul.f32 v32, v17;
	v40 =	vld [tilespmem:s29+$0xD0];
	v35 =	vadd.f32 v42, v35  }
0x61: {  	s28 =	sadd.s32 $0x4, s28;
	v32 =	vmul.f32 v32, v32;
	v42 =	vld [tilespmem:s29+$0xFFFFFF50];
	v38 =	vadd.f32 v44, v38;
	v44 =	vmul.f32 v31, v17  }
0x62: {  	p1 =	slt.u32 s28, $0x2C;
	v33 =	vadd.f32 v33, v39;
	v36 =	vadd.f32 v41, v36;
	v31 =	vmul.f32 v31, v31;
	v45 =	vld [tilespmem:s29+$0xE0]  }
0x63: {  	v32 =	vadd.f32 v32, v37;
	v39 =	vld [tilespmem:s29+$0xFFFFFFC0];
	[tilespmem:v30+s14+$0x0] =	vst.idx.msk $0xffff, v38;
	v34 =	vadd.f32 v44, v34  }
0x64: {  	v31 =	vadd.f32 v31, v35;
	v37 =	vld [tilespmem:s29+$0xF0];
	[tilespmem:v30+s15+$0x0] =	vst.idx.msk $0xffff, v33  }
0x65: {  	v33 =	vmul.f32 v43, v23;
	v30 =	vld [tilespmem:s29+$0xFFFFFFD0];
	v35 =	vmul.f32 v40, v24;
	[tilespmem:v29+s14+$0x0] =	vst.idx.msk $0xffff, v36  }
0x66: {  	v36 =	vmul.f32 v43, v43;
	v38 =	vmul.f32 v40, v40;
	v40 =	vld [tilespmem:s29+$0x100];
	[tilespmem:v29+s15+$0x0] =	vst.idx.msk $0xffff, v32  }
0x67: {  	v29 =	vmul.f32 v42, v24;
	v32 =	vld [tilespmem:s29+$0x40];
	v33 =	vadd.f32 v35, v33;
	v35 =	vmul.f32 v45, v22  }
0x68: {  	v41 =	vmul.f32 v42, v42;
	v36 =	vadd.f32 v38, v36;
	v38 =	vmul.f32 v45, v45;
	v42 =	vld [tilespmem:s29+$0x110]  }
0x69: {  	v43 =	vmul.f32 v39, v23;
	v44 =	vld [tilespmem:s29+$0x50];
	v33 =	vadd.f32 v35, v33;
	v35 =	vmul.f32 v37, v21  }
0x6a: {  	v39 =	vmul.f32 v39, v39;
	v36 =	vadd.f32 v38, v36;
	v37 =	vmul.f32 v37, v37;
	v38 =	vld [tilespmem:s29+$0x120]  }
0x6b: {  	v46 =	vmul.f32 v30, v24;
	v45 =	vld [tilespmem:s29+$0xFFFFFF40];
	v33 =	vadd.f32 v35, v33;
	v35 =	vmul.f32 v40, v18  }
0x6c: {  	v30 =	vmul.f32 v30, v30;
	v36 =	vadd.f32 v37, v36;
	v37 =	vmul.f32 v40, v40;
	v40 =	vld [tilespmem:s29+$0x130]  }
0x6d: {  	v48 =	vmul.f32 v32, v23;
	v47 =	vld [tilespmem:s29+$0xFFFFFF60];
	v33 =	vadd.f32 v35, v33;
	v35 =	vmul.f32 v42, v19  }
0x6e: {  	s30 =	sadd.s32 $0x44, s30;
	v32 =	vmul.f32 v32, v32;
	v36 =	vadd.f32 v37, v36;
	v37 =	vmul.f32 v42, v42;
	v49 =	vld [tilespmem:s29+$0xFFFFFFE0]  }
0x6f: {  	s31 =	sadd.s32 $0x11, s30;
	s0 =	sadd.s32 $0x22, s30;
	s2 =	sadd.s32 $0x33, s30;
	v42 =	vmul.f32 v44, v24;
	v50 =	vld [tilespmem:s29+$0x60];
	v33 =	vadd.f32 v35, v33;
	v35 =	vmul.f32 v38, v20  }
0x70: {  	v36 =	vadd.f32 v37, v36;
	v37 =	vmul.f32 v38, v38;
	v38 =	vadd.s32 s2, v27;
	v51 =	vld [tilespmem:s29+$0xFFFFFF70];
	[tilespmem:v28+s14+$0x0] =	vst.idx.msk $0xffff, v34  }
0x71: {  	v34 =	vmul.f32 v45, v23;
	v52 =	vld [tilespmem:s29+$0xFFFFFFF0];
	v33 =	vadd.f32 v35, v33;
	v35 =	vmul.f32 v40, v17  }
0x72: {  	v45 =	vmul.f32 v45, v45;
	v36 =	vadd.f32 v37, v36;
	v37 =	vmul.f32 v40, v40;
	v53 =	vld [tilespmem:s29+$0x70]  }
0x73: {  	v44 =	vmul.f32 v44, v44;
	v34 =	vadd.f32 v29, v34;
	v40 =	vld [tilespmem:s29+$0xFFFFFF80];
	v33 =	vadd.f32 v35, v33  }
0x74: {  	v35 =	vadd.f32 v41, v45;
	v41 =	vmul.f32 v47, v22;
	v36 =	vadd.f32 v37, v36;
	v45 =	vld [tilespmem:s29+$0x0]  }
0x75: {  	v39 =	vadd.f32 v30, v39;
	v29 =	vadd.s32 s31, v27;
	v37 =	vadd.f32 v46, v43;
	v43 =	vld [tilespmem:s29+$0x80];
	[tilespmem:v38+s14+$0x0] =	vst.idx.msk $0xffff, v33  }
0x76: {  	v32 =	vadd.f32 v44, v32;
	v33 =	vadd.f32 v42, v48;
	v42 =	vadd.s32 s0, v27;
	v46 =	vld [tilespmem:s29+$0xFFFFFF90];
	[tilespmem:v38+s15+$0x0] =	vst.idx.msk $0xffff, v36  }
0x77: {  	v34 =	vadd.f32 v41, v34;
	v36 =	vmul.f32 v47, v47;
	v38 =	vmul.f32 v49, v22;
	v41 =	vld [tilespmem:s29+$0x10]  }
0x78: {  	v30 =	vadd.s32 s30, v27;
	v44 =	vmul.f32 v49, v49;
	v47 =	vmul.f32 v50, v22;
	v48 =	vld [tilespmem:s29+$0x90];
	[tilespmem:v28+s15+$0x0] =	vst.idx.msk $0xffff, v31  }
0x79: {  	v31 =	vadd.f32 v36, v35;
	v36 =	vadd.f32 v38, v37;
	v37 =	vmul.f32 v50, v50;
	v28 =	vmovc v42;
	v35 =	vld [tilespmem:s29+$0xFFFFFFA0]  }
0x7a: {  	v39 =	vadd.f32 v44, v39;
	v38 =	vmul.f32 v51, v21;
	v44 =	vadd.f32 v47, v33;
	v42 =	vld [tilespmem:s29+$0x20]  }
0x7b: {  	v49 =	vmul.f32 v52, v21;
	v47 =	vmul.f32 v51, v51;
	v37 =	vadd.f32 v37, v32;
	v50 =	vld [tilespmem:s29+$0xA0]  }
0x7c: {  	v51 =	vmul.f32 v53, v21;
	v34 =	vadd.f32 v38, v34;
	v38 =	vmul.f32 v52, v52;
	v33 =	vld [tilespmem:s29+$0xFFFFFFB0]  }
0x7d: {  	v47 =	vadd.f32 v47, v31;
	v36 =	vadd.f32 v49, v36;
	v49 =	vmul.f32 v53, v53;
	v32 =	vld [tilespmem:s29+$0x30]  }
0x7e: {  	v52 =	vmul.f32 v40, v18;
	v38 =	vadd.f32 v38, v39;
	v39 =	vadd.f32 v51, v44;
	v31 =	vld [tilespmem:s29+$0xB0]  }
0x7f: {  	v40 =	vmul.f32 v40, v40;
	v44 =	vmul.f32 v45, v18;
	v37 =	vadd.f32 v49, v37  }
0x80: {  	v34 =	vadd.f32 v52, v34;
	v45 =	vmul.f32 v45, v45;
	v49 =	vmul.f32 v43, v18  }
0x81: {  	v40 =	vadd.f32 v40, v47;
	v43 =	vmul.f32 v43, v43;
	v36 =	vadd.f32 v44, v36  }
0x82: {  	v44 =	vmul.f32 v46, v19;
	v38 =	vadd.f32 v45, v38;
	v39 =	vadd.f32 v49, v39  }
0x83: {  	v45 =	vmul.f32 v46, v46;
	v46 =	vmul.f32 v41, v19;
	v43 =	vadd.f32 v43, v37  }
0x84: {  	v44 =	vadd.f32 v44, v34;
	v34 =	vmul.f32 v41, v41;
	v41 =	vmul.f32 v48, v19  }
.Ltmp0:
0x85: {  	v45 =	vadd.f32 v45, v40;
	v36 =	vadd.f32 v46, v36;
	v40 =	vmul.f32 v48, v48;
	(pc) =	sbr.rel @p1 .LBB2_4-.Ltmp0, $4  }
0x86: {  	v46 =	vmul.f32 v35, v20;
	v37 =	vadd.f32 v34, v38;
	v34 =	vadd.f32 v41, v39  }
0x87: {  	v47 =	vmul.f32 v42, v20;
	v39 =	vmul.f32 v35, v35;
	v35 =	vadd.f32 v40, v43  }
0x88: {  	v38 =	vadd.f32 v46, v44;
	v41 =	vmul.f32 v42, v42;
	v40 =	vmul.f32 v50, v20  }
0x89: {  	s29 =	sadd.s32 $0x200, s29;
	v36 =	vadd.f32 v47, v36;
	v42 =	vmul.f32 v50, v50;
	v39 =	vadd.f32 v39, v45  }
0x8a: {  	v27 =	vmul.f32 v33, v17  }
0x8b: {  	v44 =	vmul.f32 v33, v33  }
0x8c: {  	v27 =	vadd.f32 v27, v38  }
0x8d: {  	v34 =	vadd.f32 v40, v34;
	v47 =	vmul.f32 v31, v17;
	v33 =	vadd.f32 v44, v39  }
0x8e: {  	v35 =	vadd.f32 v42, v35;
	[tilespmem:v30+s14+$0x0] =	vst.idx.msk $0xffff, v27;
	v27 =	vmul.f32 v31, v31  }
0x8f: {  	v45 =	vmul.f32 v32, v17;
	[tilespmem:v30+s15+$0x0] =	vst.idx.msk $0xffff, v33;
	v30 =	vadd.f32 v47, v34  }
0x90: {  	v37 =	vadd.f32 v41, v37;
	v46 =	vmul.f32 v32, v32;
	v27 =	vadd.f32 v27, v35  }
0x91: {  	v36 =	vadd.f32 v45, v36;
	[tilespmem:v28+s14+$0x0] =	vst.idx.msk $0xffff, v30;
	v30 =	vadd.s32 s25, v6  }
0x92: {  	v31 =	vadd.f32 v46, v37;
	[tilespmem:v28+s15+$0x0] =	vst.idx.msk $0xffff, v27;
	v28 =	vadd.s32 s25, v2  }
0x93: {  	v48 =	vadd.s32 s25, v8;
	[tilespmem:v29+s14+$0x0] =	vst.idx.msk $0xffff, v36  }
0x94: {  	[tilespmem:v29+s15+$0x0] =	vst.idx.msk $0xffff, v31;
	v31 =	vadd.s32 s25, v7  }
0x95: {  	v49 =	vadd.s32 s25, v9  }
0x96: {  	v53 =	vadd.s32 s25, v10;
	v36 =	vld.idx.msk [tilespmem:v30+s15+$0x0], $0xffff  }
0x97: {  	v50 =	vld.idx.msk [tilespmem:v28+s15+$0x0], $0xffff  }
0x98: {  	v55 =	vadd.s32 s25, v11;
	v52 =	vld.idx.msk [tilespmem:v48+s15+$0x0], $0xffff  }
0x99: {  	v51 =	vld.idx.msk [tilespmem:v31+s15+$0x0], $0xffff  }
0x9a: {  	v43 =	vadd.s32 s25, v12;
	v54 =	vld.idx.msk [tilespmem:v49+s15+$0x0], $0xffff  }
0x9b: {  	v57 =	vld.idx.msk [tilespmem:v53+s15+$0x0], $0xffff  }
0x9c: {  	v56 =	vld.idx.msk [tilespmem:v28+s14+$0x0], $0xffff;
	v28 =	vadd.f32 v36, v50  }
0x9d: {  	v44 =	vadd.s32 s25, v13;
	v58 =	vld.idx.msk [tilespmem:v55+s15+$0x0], $0xffff  }
0x9e: {  	v30 =	vld.idx.msk [tilespmem:v30+s14+$0x0], $0xffff;
	v35 =	vadd.f32 v51, v28  }
0x9f: {  	v45 =	vadd.s32 s25, v14;
	v59 =	vld.idx.msk [tilespmem:v43+s15+$0x0], $0xffff  }
0xa0: {  	v31 =	vld.idx.msk [tilespmem:v31+s14+$0x0], $0xffff;
	v35 =	vadd.f32 v52, v35  }
0xa1: {  	v32 =	vld.idx.msk [tilespmem:v48+s14+$0x0], $0xffff  }
0xa2: {  	v46 =	vadd.s32 s25, v15;
	v60 =	vld.idx.msk [tilespmem:v44+s15+$0x0], $0xffff;
	v35 =	vadd.f32 v54, v35  }
0xa3: {  	v47 =	vld.idx.msk [tilespmem:v49+s14+$0x0], $0xffff;
	v42 =	vadd.f32 v30, v56  }
0xa4: {  	v34 =	vadd.s32 s25, v16;
	v29 =	vadd.s32 $0xF, v2;
	v48 =	vld.idx.msk [tilespmem:v45+s15+$0x0], $0xffff;
	v35 =	vadd.f32 v57, v35  }
0xa5: {  	v33 =	vadd.s32 s25, v29;
	v39 =	vld.idx.msk [tilespmem:v53+s14+$0x0], $0xffff;
	v61 =	vadd.f32 v31, v42  }
0xa6: {  	v41 =	vld.idx.msk [tilespmem:v55+s14+$0x0], $0xffff;
	v31 =	vadd.s32 $0xD, v2;
	v37 =	vadd.f32 v58, v35  }
0xa7: {  	v49 =	vld.idx.msk [tilespmem:v46+s15+$0x0], $0xffff;
	v30 =	vadd.s32 $0xC, v2;
	v36 =	vadd.s32 s25, v31;
	v42 =	vadd.f32 v32, v61  }
0xa8: {  	v43 =	vld.idx.msk [tilespmem:v43+s14+$0x0], $0xffff;
	v35 =	vadd.s32 s25, v30;
	v37 =	vadd.f32 v59, v37  }
0xa9: {  	v50 =	vld.idx.msk [tilespmem:v34+s15+$0x0], $0xffff;
	v42 =	vadd.f32 v47, v42  }
0xaa: {  	v28 =	vld.idx.msk [tilespmem:v33+s14+$0x0], $0xffff;
	v32 =	vadd.s32 $0xE, v2;
	v40 =	vadd.f32 v60, v37  }
0xab: {  	v47 =	vadd.f32 v39, v42;
	v42 =	vld.idx.msk [tilespmem:v44+s14+$0x0], $0xffff;
	v37 =	vadd.s32 s25, v32  }
0xac: {  	v39 =	vld.idx.msk [tilespmem:v36+s15+$0x0], $0xffff;
	v40 =	vadd.f32 v48, v40  }
0xad: {  	s26 =	sor.u32 s21, s26;
	v62 =	vadd.f32 v41, v47;
	v38 =	vld.idx.msk [tilespmem:v35+s15+$0x0], $0xffff  }
0xae: {  	v26 =	vadd.f32 v25, v26;
	v25 =	vmov s26;
	v41 =	vld.idx.msk [tilespmem:v45+s14+$0x0], $0xffff;
	v63 =	vadd.f32 v49, v40  }
0xaf: {  	v25 =	vshll.u32 v25, $0x7;
	v44 =	vadd.f32 v43, v62;
	v43 =	vld.idx.msk [tilespmem:v46+s14+$0x0], $0xffff  }
0xb0: {  	s28 =	simm.s32 $0x10;
	s26 =	simm.s32 $0x0;
	v25 =	vbroadcast v25, $0x0;
	v27 =	vsub.f32 $1.000000000e+00, v26;
	s25 =	sadd.s32 $0x110, s25;
	v40 =	vld.idx.msk [tilespmem:v37+s15+$0x0], $0xffff;
	v45 =	vadd.f32 v50, v63  }
.LBB2_6:
0xb1: {  	v46 =	vadd.s32 s25, v2;
	p1 =	sne.s32 s28, $0x20;
	v33 =	vld.idx.msk [tilespmem:v33+s15+$0x0], $0xffff;
	s29 =	smov.u32 s28;
	s28 =	sadd.s32 $0x10, s28  }
0xb2: {  	v47 =	vadd.s32 s25, v6;
	v42 =	vadd.f32 v42, v44;
	v34 =	vld.idx.msk [tilespmem:v34+s14+$0x0], $0xffff;
	v38 =	vadd.f32 v38, v45  }
0xb3: {  	v44 =	vadd.s32 s25, v7;
	v37 =	vld.idx.msk [tilespmem:v37+s14+$0x0], $0xffff  }
0xb4: {  	v45 =	vadd.s32 s25, v8;
	v41 =	vadd.f32 v41, v42;
	v35 =	vld.idx.msk [tilespmem:v35+s14+$0x0], $0xffff;
	v38 =	vadd.f32 v39, v38  }
0xb5: {  	v39 =	vadd.s32 s25, v9;
	v36 =	vld.idx.msk [tilespmem:v36+s14+$0x0], $0xffff  }
0xb6: {  	v42 =	vld.idx.msk [tilespmem:v46+s15+$0x0], $0xffff;
	v41 =	vadd.f32 v43, v41;
	v38 =	vadd.f32 v40, v38  }
0xb7: {  	v40 =	vld.idx.msk [tilespmem:v47+s15+$0x0], $0xffff  }
0xb8: {  	v43 =	vld.idx.msk [tilespmem:v44+s15+$0x0], $0xffff;
	v34 =	vadd.f32 v34, v41;
	v38 =	vadd.f32 v33, v38  }
0xb9: {  	v41 =	vld.idx.msk [tilespmem:v45+s15+$0x0], $0xffff  }
0xba: {  	v49 =	vadd.s32 s25, v10;
	v48 =	vld.idx.msk [tilespmem:v39+s15+$0x0], $0xffff;
	v34 =	vadd.f32 v35, v34;
	v35 =	vsub.f32 $1.000000000e+00, v38  }
0xbb: {  	v33 =	vadd.s32 s25, v29;
	v44 =	vld.idx.msk [tilespmem:v44+s14+$0x0], $0xffff  }
0xbc: {  	v50 =	vadd.s32 s25, v11;
	v34 =	vadd.f32 v36, v34;
	v35 =	vmul.f32 v35, v27  }
0xbd: {  	v40 =	vadd.f32 v40, v42;
	v42 =	vadd.s32 s25, v12;
	v36 =	vld.idx.msk [tilespmem:v46+s14+$0x0], $0xffff  }
0xbe: {  	v46 =	vld.idx.msk [tilespmem:v47+s14+$0x0], $0xffff;
	v34 =	vadd.f32 v37, v34;
	(erf) = vrcp.f32 v35  }
0xbf: {  	v35 =	vadd.f32 v43, v40;
	v40 =	vadd.s32 s25, v13;
	v37 =	vld.idx.msk [tilespmem:v49+s15+$0x0], $0xffff  }
0xc0: {  	v34 =	vadd.f32 v28, v34;
	v28 =	vld.idx.msk [tilespmem:v33+s14+$0x0], $0xffff  }
0xc1: {  	v43 =	vadd.s32 s25, v14;
	v35 =	vadd.f32 v41, v35;
	v41 =	vld.idx.msk [tilespmem:v50+s15+$0x0], $0xffff  }
0xc2: {  	v38 =	vadd.f32 v38, v26;
	v47 =	vld.idx.msk [tilespmem:v42+s15+$0x0], $0xffff;
	v34 =	vadd.f32 v34, v34  }
0xc3: {  	v35 =	vadd.f32 v48, v35;
	v45 =	vld.idx.msk [tilespmem:v45+s14+$0x0], $0xffff  }
0xc4: {  	v48 =	vadd.s32 s25, v15;
	v36 =	vadd.f32 v46, v36;
	v46 =	vld.idx.msk [tilespmem:v40+s15+$0x0], $0xffff;
	v38 =	vsub.f32 v38, v34  }
0xc5: {  	v35 =	vadd.f32 v37, v35;
	v34 =	vadd.s32 s25, v16;
	v39 =	vld.idx.msk [tilespmem:v39+s14+$0x0], $0xffff  }
0xc6: {  	v36 =	vadd.f32 v44, v36;
	v44 =	vld.idx.msk [tilespmem:v43+s15+$0x0], $0xffff;
	v37 =	vadd.f32 v38, v38  }
0xc7: {  	v38 =	vadd.f32 v41, v35;
	v35 =	vadd.s32 s25, v30;
	v49 =	vld.idx.msk [tilespmem:v49+s14+$0x0], $0xffff;
	v41 =	vpop (erf)  }
0xc8: {  	v50 =	vld.idx.msk [tilespmem:v50+s14+$0x0], $0xffff;
	v37 =	vmul.f32 v41, v37;
	v41 =	vadd.s32 s26, v25;
	s26 =	smov.u32 s29  }
0xc9: {  	v45 =	vadd.f32 v45, v36;
	v38 =	vadd.f32 v47, v38;
	v36 =	vadd.s32 s25, v31;
	v47 =	vld.idx.msk [tilespmem:v48+s15+$0x0], $0xffff  }
0xca: {  	v53 =	vadd.s32 v1, v41;
	v51 =	vld.idx.msk [tilespmem:v34+s15+$0x0], $0xffff;
	v52 =	vadd.f32 $1.000000000e+00, v37  }
0xcb: {  	v39 =	vadd.f32 v39, v45;
	v41 =	vadd.f32 v46, v38;
	v37 =	vadd.s32 s25, v32;
	v45 =	vld.idx.msk [tilespmem:v42+s14+$0x0], $0xffff  }
0xcc: {  	v38 =	vld.idx.msk [tilespmem:v35+s15+$0x0], $0xffff;
	v46 =	vadd.f32 $1.000000010e-07, v52  }
.Ltmp1:
0xcd: {  	v49 =	vadd.f32 v49, v39;
	v42 =	vld.idx.msk [tilespmem:v40+s14+$0x0], $0xffff;
	v40 =	vadd.f32 v44, v41;
	(pc) =	sbr.rel @p1 .LBB2_6-.Ltmp1, $4  }
0xce: {  	v39 =	vld.idx.msk [tilespmem:v36+s15+$0x0], $0xffff  }
0xcf: {  	v44 =	vadd.f32 v50, v49;
	v41 =	vld.idx.msk [tilespmem:v43+s14+$0x0], $0xffff;
	v47 =	vadd.f32 v47, v40;
	[tilespmem:v53+s16+$0x0] =	vst.idx.msk $0xffff, v46  }
0xd0: {  	v40 =	vld.idx.msk [tilespmem:v37+s15+$0x0], $0xffff  }
0xd1: {  	s25 =	sadd.s32 $0x110, s25;
	v44 =	vadd.f32 v45, v44;
	v43 =	vld.idx.msk [tilespmem:v48+s14+$0x0], $0xffff;
	v45 =	vadd.f32 v51, v47  }
0xd2: {  	_ =	sdelay $0x3  }
0xd3: {  	v29 =	vld.idx.msk [tilespmem:v33+s15+$0x0], $0xffff;
	v30 =	vadd.f32 v42, v44;
	v31 =	vadd.f32 v38, v45  }
0xd4: {  	v32 =	vld.idx.msk [tilespmem:v34+s14+$0x0], $0xffff  }
0xd5: {  	v30 =	vadd.f32 v41, v30;
	v31 =	vadd.f32 v39, v31  }
0xd6: {  	v57 =	vld.idx.msk [tilespmem:v35+s14+$0x0], $0xffff  }
0xd7: {  	v30 =	vadd.f32 v43, v30;
	v31 =	vadd.f32 v40, v31  }
0xd8: {  	v58 =	vld.idx.msk [tilespmem:v36+s14+$0x0], $0xffff  }
0xd9: {  	v30 =	vadd.f32 v32, v30;
	v29 =	vadd.f32 v29, v31  }
0xda: {  	v59 =	vld.idx.msk [tilespmem:v37+s14+$0x0], $0xffff  }
0xdb: {  	v30 =	vadd.f32 v57, v30;
	v60 =	vsub.f32 $1.000000000e+00, v29;
	_ =	sdelay $0x1  }
0xdc: {  	v30 =	vadd.f32 v58, v30;
	v32 =	vmul.f32 v60, v27;
	_ =	sdelay $0x1  }
0xdd: {  	v30 =	vadd.f32 v59, v30;
	(erf) = vrcp.f32 v32;
	_ =	sdelay $0x1  }
0xde: {  	v28 =	vadd.f32 v28, v30;
	_ =	sdelay $0x1  }
0xdf: {  	v29 =	vadd.f32 v29, v26;
	v28 =	vadd.f32 v28, v28;
	_ =	sdelay $0x1  }
0xe0: {  	v28 =	vsub.f32 v29, v28;
	_ =	sdelay $0x1  }
0xe1: {  	v28 =	vadd.f32 v28, v28  }
0xe2: {  	v61 =	vpop (erf)  }
0xe3: {  	v62 =	vadd.s32 s26, v25;
	v28 =	vmul.f32 v61, v28  }
0xe4: {  	v29 =	vadd.s32 v1, v62  }
0xe5: {  	v28 =	vadd.f32 $1.000000000e+00, v28;
	_ =	sdelay $0x1  }
0xe6: {  	v28 =	vadd.f32 $1.000000010e-07, v28;
	_ =	sdelay $0x1  }
0xe7: {  	[tilespmem:v29+s16+$0x0] =	vst.idx.msk $0xffff, v28  }
0xe8: {  	v28 =	vld [tilespmem:s24+$0x3880]  }
0xe9: {  	v29 =	vld [tilespmem:s24+$0x3890];
	_ =	sdelay $0x1  }
0xea: {  	v63 =	vld [tilespmem:s24+$0x38A0];
	_ =	sdelay $0x1  }
0xeb: {  	v40 =	vld [tilespmem:s24+$0x38B0]  }
0xec: {  	v41 =	vmul.f32 v28, v28;
	v42 =	vmul.f32 v29, v29  }
0xed: {  	v43 =	vld [tilespmem:s24+$0x38C0]  }
0xee: {  	v44 =	vmul.f32 v63, v63;
	v32 =	vadd.f32 v42, v41  }
0xef: {  	v45 =	vld [tilespmem:s24+$0x38D0]  }
0xf0: {  	v46 =	vmul.f32 v40, v40;
	v32 =	vadd.f32 v44, v32  }
0xf1: {  	v47 =	vld [tilespmem:s24+$0x38E0]  }
0xf2: {  	v48 =	vmul.f32 v43, v43;
	v32 =	vadd.f32 v46, v32  }
0xf3: {  	v49 =	vld [tilespmem:s24+$0x38F0];
	v23 =	vmul.f32 v28, v23  }
0xf4: {  	v24 =	vmul.f32 v29, v24;
	v51 =	vmul.f32 v45, v45;
	v50 =	vadd.f32 v48, v32  }
0xf5: {  	v22 =	vmul.f32 v63, v22  }
0xf6: {  	v53 =	vmul.f32 v47, v47;
	v23 =	vadd.f32 v24, v23;
	v52 =	vadd.f32 v51, v50  }
0xf7: {  	v21 =	vmul.f32 v40, v21  }
0xf8: {  	v55 =	vmul.f32 v49, v49;
	v22 =	vadd.f32 v22, v23;
	v54 =	vadd.f32 v53, v52;
	_ =	sdelay $0x1  }
0xf9: {  	v18 =	vmul.f32 v43, v18;
	v21 =	vadd.f32 v21, v22;
	v56 =	vadd.f32 v55, v54;
	_ =	sdelay $0x1  }
0xfa: {  	v19 =	vmul.f32 v45, v19;
	v18 =	vadd.f32 v18, v21;
	v57 =	vperm.xlane v56, v0;
	_ =	sdelay $0x1  }
0xfb: {  	v18 =	vadd.f32 v19, v18;
	v19 =	vmul.f32 v47, v20;
	v58 =	vadd.f32 v57, v56  }
0xfc: {  	v59 =	vand.u32 $0xF, v3  }
0xfd: {  	v17 =	vmul.f32 v49, v17;
	v18 =	vadd.f32 v19, v18;
	v19 =	vperm.xlane v58, v59;
	_ =	sdelay $0x1  }
0xfe: {  	v17 =	vadd.f32 v17, v18;
	v18 =	vadd.f32 v19, v58  }
0xff: {  	v19 =	vand.u32 $0xF, v4  }
0x100: {  	v60 =	vperm.xlane v17, v0;
	v61 =	vperm.xlane v18, v19;
	_ =	sdelay $0x1  }
0x101: {  	v17 =	vadd.f32 v17, v60;
	v18 =	vadd.f32 v61, v18  }
0x102: {  	v62 =	vand.u32 $0xF, v5  }
0x103: {  	v21 =	vperm.xlane v17, v59;
	v22 =	vperm.xlane v18, v62;
	_ =	sdelay $0x1  }
0x104: {  	v17 =	vadd.f32 v17, v21;
	v18 =	vadd.f32 v22, v18;
	_ =	sdelay $0x1  }
0x105: {  	v19 =	vperm.xlane v17, v19;
	v63 =	vsub.f32 $1.000000000e+00, v18;
	_ =	sdelay $0x1  }
0x106: {  	v17 =	vadd.f32 v17, v19;
	v19 =	vmul.f32 v63, v27;
	_ =	sdelay $0x1  }
0x107: {  	v20 =	vperm.xlane v17, v62;
	(erf) = vrcp.f32 v19;
	_ =	sdelay $0x1  }
0x108: {  	v17 =	vadd.f32 v17, v20;
	_ =	sdelay $0x1  }
0x109: {  	v18 =	vadd.f32 v18, v26;
	v17 =	vadd.f32 v17, v17;
	_ =	sdelay $0x1  }
0x10a: {  	v17 =	vsub.f32 v18, v17;
	_ =	sdelay $0x1  }
0x10b: {  	v17 =	vadd.f32 v17, v17  }
0x10c: {  	v18 =	vpop (erf)  }
0x10d: {  	v17 =	vmul.f32 v18, v17  }
0x10e: {  	v18 =	vor.u32 $0x30, v25  }
.Ltmp2:
0x10f: {  	v17 =	vadd.f32 $1.000000000e+00, v17;
	(pc) =	sbr.rel @p0 .LBB2_3-.Ltmp2, $3  }
0x110: {  	_ = 	snop  }
0x111: {  	v17 =	vadd.f32 $1.000000010e-07, v17;
	_ =	sdelay $0x1  }
0x112: {  	s26 =	simm.s32 $0x1;
	p1 =	por $0x0, $0x0;
	[tilespmem:v18+s16+$0x0] =	vst.idx.msk $0x1, v17  }
0x113: {  	s19 =	sadd.s32 $0x1, s19  }
0x114: {  	p0 =	sne.s32 s19, $0x40  }
.Ltmp3:
0x115: {  	_ = 	snop;
	(pc) =	sbr.rel @p0 .LBB2_2-.Ltmp3, $2  }
0x116: {  	_ =	sdelay $0x2  }
0x117: {  	s18 =	sadd.s32 $0x1, s18  }
0x118: {  	s17 =	sadd.s32 $0x1, s17  }
0x119: {  	p0 =	sne.s32 s17, s6  }
.Ltmp4:
0x11a: {  	_ = 	snop;
	(pc) =	sbr.rel @p0 .LBB2_1-.Ltmp4, $4  }
0x11b: {  	[hbm4b:s5+s3] =	stream.linear.scatter [tilespmem:s16], [sflag:$0x5], $0x4000, $0x38;
	[tilespmem:$0x13500] =	vst v63  }
0x11c: {  	_ =	swait.ge [sflag:s7], $0x4000  }
0x11d: {  	[sflag:s7] =	ssyncset.done $0x0  }
0x11e: {  	[sflag:s7] =	ssyncadd.s32 $0xFFFFC000  }
0x11f: {  	_ =	sfence.sel $0x180000  }
0x120: {  	[bflag:$0x0] =	sbarrier.arrive $0xFFFF  }
0x121: {  	_ =	strace $0x90000047  }
0x122: {  	s0 =	stileid.u32;
	[bflag:$0x2] =	sbarrier.arrive $0xFFFF  }
0x123: {  	p0 =	sne.s32 s0, $0x0;
	s0 =	rddreg [dreg:$0x2]  }
0x124: {  	s0 =	sadd.s32 @!p0 $0x100000, s0  }
0x125: {  	[sflag:s0] =	ssyncadd.tile.s32 @!p0 $0x1;
	_ =	shalt  }
.Lfunc_end2:
_tile_overlayer_lowered:
.L_overlay_start_2:
0x126: {  	(tag) =	ssettag $0x2  }
0x127: {  	s0 =	rddreg [dreg:$0x0];
	s2 =	stileid.u32  }
0x128: {  	s1 =	rddreg [dreg:$0x1];
	p0 =	sne.s32 s2, $0x0  }
0x129: {  	s3 =	rddreg [dreg:$0x2];
	[bflag:$0x3] =	sbarrier.arrive $0xFFFF;
	s2 =	simm.s32 @!p0 $0x1C05  }
0x12a: {  	[timem:s3], [sflag:s2] =	dma.local @!p0 [hbm:s0], s1  }
0x12b: {  	s0 =	simm.s32 @!p0 $0x5  }
0x12c: {  	_ =	swait.ge @!p0 [sflag:s0], s1  }
0x12d: {  	s1 =	ssub.s32 @!p0 $0x0, s1;
	[sflag:s0] =	ssyncset.done @!p0 $0x0  }
0x12e: {  	[sflag:s0] =	ssyncadd.s32 @!p0 s1  }
0x12f: {  	[bflag:$0x3] =	sbarrier.arrive $0xFFFF  }
0x130: {  	_ =	shalt  }

</sc_bundles>
